<compile_context>
chip_gen: v7x
topology: tpu7x:2x2x1
jax: 0.10.2.dev20260603
libtpu: 0.0.44.dev20260713+nightly
codegen_flags: <defaults>
</compile_context>

<pallas_src>
import jax
import jax.numpy as jnp
from jax import lax
from jax.experimental import pallas as pl
from jax.experimental.pallas import tpu as pltpu
from jax.experimental.pallas import tpu_sc as plsc

_NUM_BINS = 10
_TAIL = 3.0
_BIN_W = 2.0 * _TAIL / _NUM_BINS
_INV_BIN_W = 1.0 / _BIN_W
_T_OFF = _TAIL * _INV_BIN_W
_T_LO = 0.0001 * _INV_BIN_W
_T_HI = (2.0 * _TAIL - 0.0001) * _INV_BIN_W

_N = 16777216
_NC, _NS, _L = 2, 16, 16
_NW = _NC * _NS
_PER_W = _N // _NW
_CHUNK = 16384
_NCHUNK = _PER_W // _CHUNK


def _sc_body(z_hbm, hl_hbm, out_hbm, hlv, av, bv,
             zb0, zb1, ob0, ob1, si0, si1, so0, so1):
    wid = lax.axis_index("s") * _NC + lax.axis_index("c")
    base = wid * _PER_W
    zbufs, obufs = (zb0, zb1), (ob0, ob1)
    sin, sout = (si0, si1), (so0, so1)

    pltpu.async_copy(z_hbm.at[pl.ds(base, _CHUNK)], zb0, si0)
    pltpu.async_copy(z_hbm.at[pl.ds(base + _CHUNK, _CHUNK)], zb1, si1)

    pltpu.sync_copy(hl_hbm, hlv.at[pl.ds(0, _NUM_BINS)])
    lane = lax.iota(jnp.int32, _L)
    last = jnp.full((_L,), _L - 1, jnp.int32)

    def _shift_down(x, step):
        hlv[...] = x
        return plsc.load_gather(hlv, [jnp.maximum(lane - step, 0)])

    def _bcast_last(x):
        hlv[...] = x
        return plsc.load_gather(hlv, [last])

    hv = jnp.where(lane < _NUM_BINS, hlv[...], -1e30)
    mx = hv
    for step in (1, 2, 4, 8):
        mx = jnp.maximum(mx, _shift_down(mx, step))
    e = jnp.exp(hv - _bcast_last(mx))
    c = e
    for step in (1, 2, 4, 8):
        c = c + jnp.where(lane >= step, _shift_down(c, step), 0.0)
    total = _bcast_last(c)
    h = e / total
    c = c / total
    kp1 = (lane + 1).astype(jnp.float32)
    av[...] = c - kp1 * h
    bv[...] = h

    def in_slice(cc):
        return z_hbm.at[pl.ds(base + cc * _CHUNK, _CHUNK)]

    def out_slice(cc):
        return out_hbm.at[pl.ds(base + cc * _CHUNK, _CHUNK)]

    def compute(zbuf, obuf):
        @plsc.parallel_loop(0, _CHUNK // _L, unroll=8)
        def _vec(i):
            zv = zbuf[pl.ds(i * _L, _L)]
            t = jnp.clip(zv * _INV_BIN_W + _T_OFF, _T_LO, _T_HI)
            idx = t.astype(jnp.int32)
            aa = plsc.load_gather(av, [idx])
            bb = plsc.load_gather(bv, [idx])
            obuf[pl.ds(i * _L, _L)] = aa + t * bb

    @pl.loop(0, _NCHUNK // 2)
    def _outer(j):
        for b in range(2):
            cc = j * 2 + b
            pltpu.make_async_copy(in_slice(0), zbufs[b], sin[b]).wait()

            @pl.when(cc >= 2)
            def _():
                pltpu.make_async_copy(obufs[b], out_slice(0), sout[b]).wait()

            compute(zbufs[b], obufs[b])
            pltpu.async_copy(obufs[b], out_slice(cc), sout[b])

            @pl.when(cc + 2 < _NCHUNK)
            def _():
                pltpu.async_copy(in_slice(cc + 2), zbufs[b], sin[b])

    pltpu.make_async_copy(ob0, out_slice(0), so0).wait()
    pltpu.make_async_copy(ob1, out_slice(0), so1).wait()


@jax.jit
def kernel(z, heights_logits):
    mesh = plsc.VectorSubcoreMesh(core_axis_name="c", subcore_axis_name="s",
                                  num_cores=_NC, num_subcores=_NS)
    out = pl.kernel(
        _sc_body,
        out_type=jax.ShapeDtypeStruct((_N,), jnp.float32),
        mesh=mesh,
        compiler_params=pltpu.CompilerParams(needs_layout_passes=False),
        scratch_types=[
            pltpu.VMEM((_L,), jnp.float32),
            pltpu.VMEM((_L,), jnp.float32),
            pltpu.VMEM((_L,), jnp.float32),
            pltpu.VMEM((_CHUNK,), jnp.float32),
            pltpu.VMEM((_CHUNK,), jnp.float32),
            pltpu.VMEM((_CHUNK,), jnp.float32),
            pltpu.VMEM((_CHUNK,), jnp.float32),
            pltpu.SemaphoreType.DMA,
            pltpu.SemaphoreType.DMA,
            pltpu.SemaphoreType.DMA,
            pltpu.SemaphoreType.DMA,
        ],
    )(z, heights_logits)
    return out[:, None]

# --- scband reference (transcript-rebuilt; emitter-appended) ---
"""Pipeline reference for scband-piecewise-linear-transform-77455440216666 (READ-ONLY COPY).

The authoritative reference and input builder live on the scoring server;
editing this copy changes nothing except your own understanding.
"""

import jax, jax.numpy as jnp
import numpy as np

NUM_BINS = 10
TAIL_BOUND = 3.0

def setup_inputs(seed: int = 0) -> dict:
    key = jax.random.key(seed)
    k1, k2 = jax.random.split(key)
    z = jax.random.normal(k1, (16777216,), dtype=jnp.float32)
    heights_logits = jax.random.normal(k2, (NUM_BINS,), dtype=jnp.float32)
    return {"z": z, "heights_logits": heights_logits}

def reference(z, heights_logits):
    tail_bound = TAIL_BOUND
    num_bins = NUM_BINS
    z = jnp.clip(z, -tail_bound + 0.0001, tail_bound - 0.0001)
    bin_width = 2.0 * tail_bound / num_bins
    bin_idx = jnp.clip(((z + tail_bound) / bin_width).astype(jnp.int32), 0, num_bins - 1)
    heights = jax.nn.softmax(heights_logits, axis=0)
    cum_heights = jnp.cumsum(heights, axis=0)
    cum_heights = jnp.pad(cum_heights, (1, 0), constant_values=0.0)
    left_z = -tail_bound + bin_idx.astype(z.dtype) * bin_width
    bin_frac = (z - left_z) / bin_width
    h_left = jnp.take(cum_heights, bin_idx, axis=0)
    h_right = jnp.take(cum_heights, bin_idx + 1, axis=0)
    x = h_left + bin_frac * (h_right - h_left)
    return x[..., None]

if __name__ == "__main__":
    import jax
    _d = setup_inputs()
    print(jax.jit(kernel)(*tuple(_d.values())))

</pallas_src>

<mosaic_0001>
#map = affine_map<(d0, d1) -> (0)>
module attributes {stable_mosaic.version = 14 : i64} {
  func.func @_sc_body(%arg0: i32, %arg1: i32, %arg2: memref<16777216xf32, #tpu.memory_space<hbm>>, %arg3: memref<10xf32, #tpu.memory_space<hbm>>, %arg4: memref<16777216xf32, #tpu.memory_space<hbm>>, %arg5: memref<16xf32, #tpu.memory_space<vmem>>, %arg6: memref<16xf32, #tpu.memory_space<vmem>>, %arg7: memref<16xf32, #tpu.memory_space<vmem>>, %arg8: memref<16384xf32, #tpu.memory_space<vmem>>, %arg9: memref<16384xf32, #tpu.memory_space<vmem>>, %arg10: memref<16384xf32, #tpu.memory_space<vmem>>, %arg11: memref<16384xf32, #tpu.memory_space<vmem>>, %arg12: memref<!tpu.dma_semaphore, #tpu.memory_space<semaphore_mem>>, %arg13: memref<!tpu.dma_semaphore, #tpu.memory_space<semaphore_mem>>, %arg14: memref<!tpu.dma_semaphore, #tpu.memory_space<semaphore_mem>>, %arg15: memref<!tpu.dma_semaphore, #tpu.memory_space<semaphore_mem>>) attributes {dimension_semantics = [#tpu.dimension_semantics<core_parallel>, #tpu.dimension_semantics<subcore_parallel>], iteration_bounds = array<i64: 2, 16>, scalar_prefetch = 0 : i64, scratch_operands = 11 : i64, tpu.core_type = #tpu.core_type<sc_vector_subcore>, window_params = [{transform_indices = #map}, {transform_indices = #map}, {transform_indices = #map}]} {
    %mul3A = arith.constant 2 : i32
    %mul3A_0 = arith.muli %arg1, %mul3A : i32
    %add3A = arith.addi %mul3A_0, %arg0 : i32
    %mul3A_1 = arith.constant 524288 : i32
    %mul3A_2 = arith.muli %add3A, %mul3A_1 : i32
    %dma_start3A = tpu.memref_slice %arg2[%mul3A_2] : memref<16777216xf32, #tpu.memory_space<hbm>> -> memref<16384xf32, #tpu.memory_space<hbm>>
    %dma_start3A_3 = tpu.memref_slice %arg2[%mul3A_2] : memref<16777216xf32, #tpu.memory_space<hbm>> -> memref<16384xf32, #tpu.memory_space<hbm>>
    tpu.enqueue_dma source(%dma_start3A_3 : memref<16384xf32, #tpu.memory_space<hbm>>) target(%arg8 : memref<16384xf32, #tpu.memory_space<vmem>>) target_semaphore(%arg12 : memref<!tpu.dma_semaphore, #tpu.memory_space<semaphore_mem>>)
    %add3A_4 = arith.constant 16384 : i32
    %add3A_5 = arith.addi %mul3A_2, %add3A_4 : i32
    %dma_start3A_6 = tpu.memref_slice %arg2[%add3A_5] : memref<16777216xf32, #tpu.memory_space<hbm>> -> memref<16384xf32, #tpu.memory_space<hbm>>
    %dma_start3A_7 = tpu.memref_slice %arg2[%add3A_5] : memref<16777216xf32, #tpu.memory_space<hbm>> -> memref<16384xf32, #tpu.memory_space<hbm>>
    tpu.enqueue_dma source(%dma_start3A_7 : memref<16384xf32, #tpu.memory_space<hbm>>) target(%arg9 : memref<16384xf32, #tpu.memory_space<vmem>>) target_semaphore(%arg13 : memref<!tpu.dma_semaphore, #tpu.memory_space<semaphore_mem>>)
    "tpu.region"() ({
      %run_scoped3A = tpu.sem_alloc : memref<!tpu.dma_semaphore, #tpu.memory_space<semaphore_mem>>
      %dma_start3A_140 = arith.constant 0 : i32
      %dma_start3A_141 = tpu.memref_slice %arg5[%dma_start3A_140] : memref<16xf32, #tpu.memory_space<vmem>> -> memref<10xf32, #tpu.memory_space<vmem>>
      %dma_start3A_142 = arith.constant 0 : i32
      %dma_start3A_143 = tpu.memref_slice %arg5[%dma_start3A_142] : memref<16xf32, #tpu.memory_space<vmem>> -> memref<10xf32, #tpu.memory_space<vmem>>
      tpu.enqueue_dma source(%arg3 : memref<10xf32, #tpu.memory_space<hbm>>) target(%dma_start3A_143 : memref<10xf32, #tpu.memory_space<vmem>>) target_semaphore(%run_scoped3A : memref<!tpu.dma_semaphore, #tpu.memory_space<semaphore_mem>>)
      %dma_wait3A_144 = arith.constant 0 : i32
      %dma_wait3A_145 = tpu.memref_slice %arg5[%dma_wait3A_144] : memref<16xf32, #tpu.memory_space<vmem>> -> memref<10xf32, #tpu.memory_space<vmem>>
      %dma_wait3A_146 = arith.constant 0 : i32
      %dma_wait3A_147 = tpu.memref_slice %arg5[%dma_wait3A_146] : memref<16xf32, #tpu.memory_space<vmem>> -> memref<10xf32, #tpu.memory_space<vmem>>
      tpu.wait_dma2 semaphore(%run_scoped3A : memref<!tpu.dma_semaphore, #tpu.memory_space<semaphore_mem>>) src(%arg3 : memref<10xf32, #tpu.memory_space<hbm>>) dst(%dma_wait3A_147 : memref<10xf32, #tpu.memory_space<vmem>>)
      tpu.yield
    }) : () -> ()
    %iota3A = tpu.iota {dimensions = array<i32: 0>} : vector<16xi32>
    %broadcast_in_dim3A = arith.constant 15 : i32
    %broadcast_in_dim3A_8 = vector.broadcast %broadcast_in_dim3A : i32 to vector<16xi32>
    %lt3A = arith.constant 10 : i32
    %lt3A_9 = vector.broadcast %lt3A : i32 to vector<16xi32>
    %lt3A_10 = arith.cmpi slt, %iota3A, %lt3A_9 : vector<16xi32>
    %get3A = arith.constant 0 : index
    %get3A_11 = tpu.vector_load %arg5[%get3A] {strides = array<i32>} : memref<16xf32, #tpu.memory_space<vmem>>, vector<16xf32>,
    %jit3A = arith.constant -1.000000e+30 : f32
    %broadcast_in_dim3A_12 = vector.broadcast %jit3A : f32 to vector<16xf32>
    %select_n3A = arith.select %lt3A_10, %get3A_11, %broadcast_in_dim3A_12 : vector<16xi1>, vector<16xf32>
    %swap3A = arith.constant 0 : index
    %swap3A_13 = tpu.vector_load %arg5[%swap3A] {strides = array<i32>} : memref<16xf32, #tpu.memory_space<vmem>>, vector<16xf32>,
    tpu.vector_store %arg5[%swap3A], %select_n3A {strides = array<i32>} : memref<16xf32, #tpu.memory_space<vmem>>, vector<16xf32>,
    %sub3A = arith.constant 1 : i32
    %sub3A_14 = vector.broadcast %sub3A : i32 to vector<16xi32>
    %sub3A_15 = arith.subi %iota3A, %sub3A_14 : vector<16xi32>
    %max3A = arith.constant 0 : i32
    %max3A_16 = vector.broadcast %max3A : i32 to vector<16xi32>
    %max3A_17 = arith.maxsi %sub3A_15, %max3A_16 : vector<16xi32>
    %gather3A = tpu.vector_load_idx %arg5[%max3A_17] : memref<16xf32, #tpu.memory_space<vmem>>[vector<16xi32>], vector<16xf32>,
    %max3A_18 = arith.maximumf %select_n3A, %gather3A : vector<16xf32>
    %swap3A_19 = arith.constant 0 : index
    %swap3A_20 = tpu.vector_load %arg5[%swap3A_19] {strides = array<i32>} : memref<16xf32, #tpu.memory_space<vmem>>, vector<16xf32>,
    tpu.vector_store %arg5[%swap3A_19], %max3A_18 {strides = array<i32>} : memref<16xf32, #tpu.memory_space<vmem>>, vector<16xf32>,
    %sub3A_21 = arith.constant 2 : i32
    %sub3A_22 = vector.broadcast %sub3A_21 : i32 to vector<16xi32>
    %sub3A_23 = arith.subi %iota3A, %sub3A_22 : vector<16xi32>
    %max3A_24 = arith.constant 0 : i32
    %max3A_25 = vector.broadcast %max3A_24 : i32 to vector<16xi32>
    %max3A_26 = arith.maxsi %sub3A_23, %max3A_25 : vector<16xi32>
    %gather3A_27 = tpu.vector_load_idx %arg5[%max3A_26] : memref<16xf32, #tpu.memory_space<vmem>>[vector<16xi32>], vector<16xf32>,
    %max3A_28 = arith.maximumf %max3A_18, %gather3A_27 : vector<16xf32>
    %swap3A_29 = arith.constant 0 : index
    %swap3A_30 = tpu.vector_load %arg5[%swap3A_29] {strides = array<i32>} : memref<16xf32, #tpu.memory_space<vmem>>, vector<16xf32>,
    tpu.vector_store %arg5[%swap3A_29], %max3A_28 {strides = array<i32>} : memref<16xf32, #tpu.memory_space<vmem>>, vector<16xf32>,
    %sub3A_31 = arith.constant 4 : i32
    %sub3A_32 = vector.broadcast %sub3A_31 : i32 to vector<16xi32>
    %sub3A_33 = arith.subi %iota3A, %sub3A_32 : vector<16xi32>
    %max3A_34 = arith.constant 0 : i32
    %max3A_35 = vector.broadcast %max3A_34 : i32 to vector<16xi32>
    %max3A_36 = arith.maxsi %sub3A_33, %max3A_35 : vector<16xi32>
    %gather3A_37 = tpu.vector_load_idx %arg5[%max3A_36] : memref<16xf32, #tpu.memory_space<vmem>>[vector<16xi32>], vector<16xf32>,
    %max3A_38 = arith.maximumf %max3A_28, %gather3A_37 : vector<16xf32>
    %swap3A_39 = arith.constant 0 : index
    %swap3A_40 = tpu.vector_load %arg5[%swap3A_39] {strides = array<i32>} : memref<16xf32, #tpu.memory_space<vmem>>, vector<16xf32>,
    tpu.vector_store %arg5[%swap3A_39], %max3A_38 {strides = array<i32>} : memref<16xf32, #tpu.memory_space<vmem>>, vector<16xf32>,
    %sub3A_41 = arith.constant 8 : i32
    %sub3A_42 = vector.broadcast %sub3A_41 : i32 to vector<16xi32>
    %sub3A_43 = arith.subi %iota3A, %sub3A_42 : vector<16xi32>
    %max3A_44 = arith.constant 0 : i32
    %max3A_45 = vector.broadcast %max3A_44 : i32 to vector<16xi32>
    %max3A_46 = arith.maxsi %sub3A_43, %max3A_45 : vector<16xi32>
    %gather3A_47 = tpu.vector_load_idx %arg5[%max3A_46] : memref<16xf32, #tpu.memory_space<vmem>>[vector<16xi32>], vector<16xf32>,
    %max3A_48 = arith.maximumf %max3A_38, %gather3A_47 : vector<16xf32>
    %swap3A_49 = arith.constant 0 : index
    %swap3A_50 = tpu.vector_load %arg5[%swap3A_49] {strides = array<i32>} : memref<16xf32, #tpu.memory_space<vmem>>, vector<16xf32>,
    tpu.vector_store %arg5[%swap3A_49], %max3A_48 {strides = array<i32>} : memref<16xf32, #tpu.memory_space<vmem>>, vector<16xf32>,
    %gather3A_51 = tpu.vector_load_idx %arg5[%broadcast_in_dim3A_8] : memref<16xf32, #tpu.memory_space<vmem>>[vector<16xi32>], vector<16xf32>,
    %sub3A_52 = arith.subf %select_n3A, %gather3A_51 : vector<16xf32>
    %exp3A = math.exp %sub3A_52 : vector<16xf32>
    %ge3A = arith.constant 1 : i32
    %ge3A_53 = vector.broadcast %ge3A : i32 to vector<16xi32>
    %ge3A_54 = arith.cmpi sge, %iota3A, %ge3A_53 : vector<16xi32>
    %swap3A_55 = arith.constant 0 : index
    %swap3A_56 = tpu.vector_load %arg5[%swap3A_55] {strides = array<i32>} : memref<16xf32, #tpu.memory_space<vmem>>, vector<16xf32>,
    tpu.vector_store %arg5[%swap3A_55], %exp3A {strides = array<i32>} : memref<16xf32, #tpu.memory_space<vmem>>, vector<16xf32>,
    %sub3A_57 = arith.constant 1 : i32
    %sub3A_58 = vector.broadcast %sub3A_57 : i32 to vector<16xi32>
    %sub3A_59 = arith.subi %iota3A, %sub3A_58 : vector<16xi32>
    %max3A_60 = arith.constant 0 : i32
    %max3A_61 = vector.broadcast %max3A_60 : i32 to vector<16xi32>
    %max3A_62 = arith.maxsi %sub3A_59, %max3A_61 : vector<16xi32>
    %gather3A_63 = tpu.vector_load_idx %arg5[%max3A_62] : memref<16xf32, #tpu.memory_space<vmem>>[vector<16xi32>], vector<16xf32>,
    %jit3A_64 = arith.constant 0.000000e+00 : f32
    %broadcast_in_dim3A_65 = vector.broadcast %jit3A_64 : f32 to vector<16xf32>
    %select_n3A_66 = arith.select %ge3A_54, %gather3A_63, %broadcast_in_dim3A_65 : vector<16xi1>, vector<16xf32>
    %add3A_67 = arith.addf %exp3A, %select_n3A_66 : vector<16xf32>
    %ge3A_68 = arith.constant 2 : i32
    %ge3A_69 = vector.broadcast %ge3A_68 : i32 to vector<16xi32>
    %ge3A_70 = arith.cmpi sge, %iota3A, %ge3A_69 : vector<16xi32>
    %swap3A_71 = arith.constant 0 : index
    %swap3A_72 = tpu.vector_load %arg5[%swap3A_71] {strides = array<i32>} : memref<16xf32, #tpu.memory_space<vmem>>, vector<16xf32>,
    tpu.vector_store %arg5[%swap3A_71], %add3A_67 {strides = array<i32>} : memref<16xf32, #tpu.memory_space<vmem>>, vector<16xf32>,
    %sub3A_73 = arith.constant 2 : i32
    %sub3A_74 = vector.broadcast %sub3A_73 : i32 to vector<16xi32>
    %sub3A_75 = arith.subi %iota3A, %sub3A_74 : vector<16xi32>
    %max3A_76 = arith.constant 0 : i32
    %max3A_77 = vector.broadcast %max3A_76 : i32 to vector<16xi32>
    %max3A_78 = arith.maxsi %sub3A_75, %max3A_77 : vector<16xi32>
    %gather3A_79 = tpu.vector_load_idx %arg5[%max3A_78] : memref<16xf32, #tpu.memory_space<vmem>>[vector<16xi32>], vector<16xf32>,
    %jit3A_80 = arith.constant 0.000000e+00 : f32
    %broadcast_in_dim3A_81 = vector.broadcast %jit3A_80 : f32 to vector<16xf32>
    %select_n3A_82 = arith.select %ge3A_70, %gather3A_79, %broadcast_in_dim3A_81 : vector<16xi1>, vector<16xf32>
    %add3A_83 = arith.addf %add3A_67, %select_n3A_82 : vector<16xf32>
    %ge3A_84 = arith.constant 4 : i32
    %ge3A_85 = vector.broadcast %ge3A_84 : i32 to vector<16xi32>
    %ge3A_86 = arith.cmpi sge, %iota3A, %ge3A_85 : vector<16xi32>
    %swap3A_87 = arith.constant 0 : index
    %swap3A_88 = tpu.vector_load %arg5[%swap3A_87] {strides = array<i32>} : memref<16xf32, #tpu.memory_space<vmem>>, vector<16xf32>,
    tpu.vector_store %arg5[%swap3A_87], %add3A_83 {strides = array<i32>} : memref<16xf32, #tpu.memory_space<vmem>>, vector<16xf32>,
    %sub3A_89 = arith.constant 4 : i32
    %sub3A_90 = vector.broadcast %sub3A_89 : i32 to vector<16xi32>
    %sub3A_91 = arith.subi %iota3A, %sub3A_90 : vector<16xi32>
    %max3A_92 = arith.constant 0 : i32
    %max3A_93 = vector.broadcast %max3A_92 : i32 to vector<16xi32>
    %max3A_94 = arith.maxsi %sub3A_91, %max3A_93 : vector<16xi32>
    %gather3A_95 = tpu.vector_load_idx %arg5[%max3A_94] : memref<16xf32, #tpu.memory_space<vmem>>[vector<16xi32>], vector<16xf32>,
    %jit3A_96 = arith.constant 0.000000e+00 : f32
    %broadcast_in_dim3A_97 = vector.broadcast %jit3A_96 : f32 to vector<16xf32>
    %select_n3A_98 = arith.select %ge3A_86, %gather3A_95, %broadcast_in_dim3A_97 : vector<16xi1>, vector<16xf32>
    %add3A_99 = arith.addf %add3A_83, %select_n3A_98 : vector<16xf32>
    %ge3A_100 = arith.constant 8 : i32
    %ge3A_101 = vector.broadcast %ge3A_100 : i32 to vector<16xi32>
    %ge3A_102 = arith.cmpi sge, %iota3A, %ge3A_101 : vector<16xi32>
    %swap3A_103 = arith.constant 0 : index
    %swap3A_104 = tpu.vector_load %arg5[%swap3A_103] {strides = array<i32>} : memref<16xf32, #tpu.memory_space<vmem>>, vector<16xf32>,
    tpu.vector_store %arg5[%swap3A_103], %add3A_99 {strides = array<i32>} : memref<16xf32, #tpu.memory_space<vmem>>, vector<16xf32>,
    %sub3A_105 = arith.constant 8 : i32
    %sub3A_106 = vector.broadcast %sub3A_105 : i32 to vector<16xi32>
    %sub3A_107 = arith.subi %iota3A, %sub3A_106 : vector<16xi32>
    %max3A_108 = arith.constant 0 : i32
    %max3A_109 = vector.broadcast %max3A_108 : i32 to vector<16xi32>
    %max3A_110 = arith.maxsi %sub3A_107, %max3A_109 : vector<16xi32>
    %gather3A_111 = tpu.vector_load_idx %arg5[%max3A_110] : memref<16xf32, #tpu.memory_space<vmem>>[vector<16xi32>], vector<16xf32>,
    %jit3A_112 = arith.constant 0.000000e+00 : f32
    %broadcast_in_dim3A_113 = vector.broadcast %jit3A_112 : f32 to vector<16xf32>
    %select_n3A_114 = arith.select %ge3A_102, %gather3A_111, %broadcast_in_dim3A_113 : vector<16xi1>, vector<16xf32>
    %add3A_115 = arith.addf %add3A_99, %select_n3A_114 : vector<16xf32>
    %swap3A_116 = arith.constant 0 : index
    %swap3A_117 = tpu.vector_load %arg5[%swap3A_116] {strides = array<i32>} : memref<16xf32, #tpu.memory_space<vmem>>, vector<16xf32>,
    tpu.vector_store %arg5[%swap3A_116], %add3A_115 {strides = array<i32>} : memref<16xf32, #tpu.memory_space<vmem>>, vector<16xf32>,
    %gather3A_118 = tpu.vector_load_idx %arg5[%broadcast_in_dim3A_8] : memref<16xf32, #tpu.memory_space<vmem>>[vector<16xi32>], vector<16xf32>,
    %div3A = arith.divf %exp3A, %gather3A_118 : vector<16xf32>
    %div3A_119 = arith.divf %add3A_115, %gather3A_118 : vector<16xf32>
    %add3A_120 = arith.constant 1 : i32
    %add3A_121 = vector.broadcast %add3A_120 : i32 to vector<16xi32>
    %add3A_122 = arith.addi %iota3A, %add3A_121 : vector<16xi32>
    %convert_element_type3A = arith.sitofp %add3A_122 : vector<16xi32> to vector<16xf32>
    %mul3A_123 = arith.mulf %convert_element_type3A, %div3A : vector<16xf32>
    %sub3A_124 = arith.subf %div3A_119, %mul3A_123 : vector<16xf32>
    %swap3A_125 = arith.constant 0 : index
    %swap3A_126 = tpu.vector_load %arg6[%swap3A_125] {strides = array<i32>} : memref<16xf32, #tpu.memory_space<vmem>>, vector<16xf32>,
    tpu.vector_store %arg6[%swap3A_125], %sub3A_124 {strides = array<i32>} : memref<16xf32, #tpu.memory_space<vmem>>, vector<16xf32>,
    %swap3A_127 = arith.constant 0 : index
    %swap3A_128 = tpu.vector_load %arg7[%swap3A_127] {strides = array<i32>} : memref<16xf32, #tpu.memory_space<vmem>>, vector<16xf32>,
    tpu.vector_store %arg7[%swap3A_127], %div3A {strides = array<i32>} : memref<16xf32, #tpu.memory_space<vmem>>, vector<16xf32>,
    %scan3A = arith.constant 0 : i32
    %scan3A_129 = arith.constant 16 : i32
    %scan3A_130 = arith.addi %scan3A, %scan3A_129 : i32
    %scan3A_131 = arith.constant 1 : i32
    scf.for %scan3A_140 = %scan3A to %scan3A_130 step %scan3A_131  : i32 {
      %mul3A_141 = arith.constant 1 : i32
      %mul3A_142 = arith.muli %scan3A_140, %mul3A_141 : i32
      %add3A_143 = arith.constant 0 : i32
      %add3A_144 = arith.addi %add3A_143, %mul3A_142 : i32
      %mul3A_145 = arith.constant 2 : i32
      %mul3A_146 = arith.muli %add3A_144, %mul3A_145 : i32
      %add3A_147 = arith.constant 0 : i32
      %add3A_148 = arith.addi %mul3A_146, %add3A_147 : i32
      %add3A_149 = arith.constant 0 : i32
      %add3A_150 = arith.addi %mul3A_2, %add3A_149 : i32
      %dma_wait3A_151 = tpu.memref_slice %arg2[%add3A_150] : memref<16777216xf32, #tpu.memory_space<hbm>> -> memref<16384xf32, #tpu.memory_space<hbm>>
      %dma_wait3A_152 = tpu.memref_slice %arg2[%add3A_150] : memref<16777216xf32, #tpu.memory_space<hbm>> -> memref<16384xf32, #tpu.memory_space<hbm>>
      tpu.wait_dma2 semaphore(%arg12 : memref<!tpu.dma_semaphore, #tpu.memory_space<semaphore_mem>>) src(%dma_wait3A_152 : memref<16384xf32, #tpu.memory_space<hbm>>) dst(%arg8 : memref<16384xf32, #tpu.memory_space<vmem>>)
      %ge3A_153 = arith.constant 2 : i32
      %ge3A_154 = arith.cmpi sge, %add3A_148, %ge3A_153 : i32
      %convert_element_type3A_155 = arith.extui %ge3A_154 : i1 to i32
      %cond3A = arith.constant 0 : i32
      %cond3A_156 = arith.cmpi ne, %convert_element_type3A_155, %cond3A : i32
      scf.if %cond3A_156 {
        %add3A_199 = arith.constant 0 : i32
        %add3A_200 = arith.addi %mul3A_2, %add3A_199 : i32
        %dma_wait3A_201 = tpu.memref_slice %arg4[%add3A_200] : memref<16777216xf32, #tpu.memory_space<hbm>> -> memref<16384xf32, #tpu.memory_space<hbm>>
        %dma_wait3A_202 = tpu.memref_slice %arg4[%add3A_200] : memref<16777216xf32, #tpu.memory_space<hbm>> -> memref<16384xf32, #tpu.memory_space<hbm>>
        tpu.wait_dma2 semaphore(%arg14 : memref<!tpu.dma_semaphore, #tpu.memory_space<semaphore_mem>>) src(%arg10 : memref<16384xf32, #tpu.memory_space<vmem>>) dst(%dma_wait3A_202 : memref<16384xf32, #tpu.memory_space<hbm>>)
      } else {
      }
      %parallel_loop3A = arith.constant 0 : i32
      %parallel_loop3A_157 = arith.constant 1024 : i32
      %parallel_loop3A_158 = arith.constant 1 : i32
      scf.for %parallel_loop3A_199 = %parallel_loop3A to %parallel_loop3A_157 step %parallel_loop3A_158  : i32 {
        %parallel_loop3A_200 = arith.constant 16 : i32
        %parallel_loop3A_201 = arith.muli %parallel_loop3A_199, %parallel_loop3A_200 : i32
        %parallel_loop3A_202 = arith.index_cast %parallel_loop3A_201 : i32 to index
        %parallel_loop3A_203 = tpu.vector_load %arg8[%parallel_loop3A_202] {strides = array<i32>} : memref<16384xf32, #tpu.memory_space<vmem>>, vector<16xf32>,
        %parallel_loop3A_204 = arith.constant 1.66666663 : f32
        %parallel_loop3A_205 = vector.broadcast %parallel_loop3A_204 : f32 to vector<16xf32>
        %parallel_loop3A_206 = arith.mulf %parallel_loop3A_203, %parallel_loop3A_205 : vector<16xf32>
        %parallel_loop3A_207 = arith.constant 5.000000e+00 : f32
        %parallel_loop3A_208 = vector.broadcast %parallel_loop3A_207 : f32 to vector<16xf32>
        %parallel_loop3A_209 = arith.addf %parallel_loop3A_206, %parallel_loop3A_208 : vector<16xf32>
        %parallel_loop3A_210 = arith.constant 1.66666665E-4 : f32
        %parallel_loop3A_211 = arith.constant 9.9998331 : f32
        %parallel_loop3A_212 = vector.broadcast %parallel_loop3A_210 : f32 to vector<16xf32>
        %parallel_loop3A_213 = arith.maximumf %parallel_loop3A_212, %parallel_loop3A_209 : vector<16xf32>
        %parallel_loop3A_214 = vector.broadcast %parallel_loop3A_211 : f32 to vector<16xf32>
        %parallel_loop3A_215 = arith.minimumf %parallel_loop3A_214, %parallel_loop3A_213 : vector<16xf32>
        %parallel_loop3A_216 = arith.fptosi %parallel_loop3A_215 : vector<16xf32> to vector<16xi32>
        %parallel_loop3A_217 = tpu.vector_load_idx %arg6[%parallel_loop3A_216] : memref<16xf32, #tpu.memory_space<vmem>>[vector<16xi32>], vector<16xf32>,
        %parallel_loop3A_218 = tpu.vector_load_idx %arg7[%parallel_loop3A_216] : memref<16xf32, #tpu.memory_space<vmem>>[vector<16xi32>], vector<16xf32>,
        %parallel_loop3A_219 = arith.mulf %parallel_loop3A_215, %parallel_loop3A_218 : vector<16xf32>
        %parallel_loop3A_220 = arith.addf %parallel_loop3A_217, %parallel_loop3A_219 : vector<16xf32>
        %parallel_loop3A_221 = arith.constant 16 : i32
        %parallel_loop3A_222 = arith.muli %parallel_loop3A_199, %parallel_loop3A_221 : i32
        %parallel_loop3A_223 = arith.index_cast %parallel_loop3A_222 : i32 to index
        %parallel_loop3A_224 = tpu.vector_load %arg10[%parallel_loop3A_223] {strides = array<i32>} : memref<16384xf32, #tpu.memory_space<vmem>>, vector<16xf32>,
        tpu.vector_store %arg10[%parallel_loop3A_223], %parallel_loop3A_220 {strides = array<i32>} : memref<16384xf32, #tpu.memory_space<vmem>>, vector<16xf32>,
      } {sc.loop_unroll_factor = 8 : i64, sc.parallel_access}
      %mul3A_159 = arith.constant 16384 : i32
      %mul3A_160 = arith.muli %add3A_148, %mul3A_159 : i32
      %add3A_161 = arith.addi %mul3A_2, %mul3A_160 : i32
      %dma_start3A_162 = tpu.memref_slice %arg4[%add3A_161] : memref<16777216xf32, #tpu.memory_space<hbm>> -> memref<16384xf32, #tpu.memory_space<hbm>>
      %dma_start3A_163 = tpu.memref_slice %arg4[%add3A_161] : memref<16777216xf32, #tpu.memory_space<hbm>> -> memref<16384xf32, #tpu.memory_space<hbm>>
      tpu.enqueue_dma source(%arg10 : memref<16384xf32, #tpu.memory_space<vmem>>) target(%dma_start3A_163 : memref<16384xf32, #tpu.memory_space<hbm>>) target_semaphore(%arg14 : memref<!tpu.dma_semaphore, #tpu.memory_space<semaphore_mem>>)
      %add3A_164 = arith.constant 2 : i32
      %add3A_165 = arith.addi %add3A_148, %add3A_164 : i32
      %lt3A_166 = arith.constant 32 : i32
      %lt3A_167 = arith.cmpi slt, %add3A_165, %lt3A_166 : i32
      %convert_element_type3A_168 = arith.extui %lt3A_167 : i1 to i32
      %cond3A_169 = arith.constant 0 : i32
      %cond3A_170 = arith.cmpi ne, %convert_element_type3A_168, %cond3A_169 : i32
      scf.if %cond3A_170 {
        %add3A_199 = arith.constant 2 : i32
        %add3A_200 = arith.addi %add3A_148, %add3A_199 : i32
        %mul3A_201 = arith.constant 16384 : i32
        %mul3A_202 = arith.muli %add3A_200, %mul3A_201 : i32
        %add3A_203 = arith.addi %mul3A_2, %mul3A_202 : i32
        %dma_start3A_204 = tpu.memref_slice %arg2[%add3A_203] : memref<16777216xf32, #tpu.memory_space<hbm>> -> memref<16384xf32, #tpu.memory_space<hbm>>
        %dma_start3A_205 = tpu.memref_slice %arg2[%add3A_203] : memref<16777216xf32, #tpu.memory_space<hbm>> -> memref<16384xf32, #tpu.memory_space<hbm>>
        tpu.enqueue_dma source(%dma_start3A_205 : memref<16384xf32, #tpu.memory_space<hbm>>) target(%arg8 : memref<16384xf32, #tpu.memory_space<vmem>>) target_semaphore(%arg12 : memref<!tpu.dma_semaphore, #tpu.memory_space<semaphore_mem>>)
      } else {
      }
      %mul3A_171 = arith.constant 2 : i32
      %mul3A_172 = arith.muli %add3A_144, %mul3A_171 : i32
      %add3A_173 = arith.constant 1 : i32
      %add3A_174 = arith.addi %mul3A_172, %add3A_173 : i32
      %add3A_175 = arith.constant 0 : i32
      %add3A_176 = arith.addi %mul3A_2, %add3A_175 : i32
      %dma_wait3A_177 = tpu.memref_slice %arg2[%add3A_176] : memref<16777216xf32, #tpu.memory_space<hbm>> -> memref<16384xf32, #tpu.memory_space<hbm>>
      %dma_wait3A_178 = tpu.memref_slice %arg2[%add3A_176] : memref<16777216xf32, #tpu.memory_space<hbm>> -> memref<16384xf32, #tpu.memory_space<hbm>>
      tpu.wait_dma2 semaphore(%arg13 : memref<!tpu.dma_semaphore, #tpu.memory_space<semaphore_mem>>) src(%dma_wait3A_178 : memref<16384xf32, #tpu.memory_space<hbm>>) dst(%arg9 : memref<16384xf32, #tpu.memory_space<vmem>>)
      %ge3A_179 = arith.constant 2 : i32
      %ge3A_180 = arith.cmpi sge, %add3A_174, %ge3A_179 : i32
      %convert_element_type3A_181 = arith.extui %ge3A_180 : i1 to i32
      %cond3A_182 = arith.constant 0 : i32
      %cond3A_183 = arith.cmpi ne, %convert_element_type3A_181, %cond3A_182 : i32
      scf.if %cond3A_183 {
        %add3A_199 = arith.constant 0 : i32
        %add3A_200 = arith.addi %mul3A_2, %add3A_199 : i32
        %dma_wait3A_201 = tpu.memref_slice %arg4[%add3A_200] : memref<16777216xf32, #tpu.memory_space<hbm>> -> memref<16384xf32, #tpu.memory_space<hbm>>
        %dma_wait3A_202 = tpu.memref_slice %arg4[%add3A_200] : memref<16777216xf32, #tpu.memory_space<hbm>> -> memref<16384xf32, #tpu.memory_space<hbm>>
        tpu.wait_dma2 semaphore(%arg15 : memref<!tpu.dma_semaphore, #tpu.memory_space<semaphore_mem>>) src(%arg11 : memref<16384xf32, #tpu.memory_space<vmem>>) dst(%dma_wait3A_202 : memref<16384xf32, #tpu.memory_space<hbm>>)
      } else {
      }
      %parallel_loop3A_184 = arith.constant 0 : i32
      %parallel_loop3A_185 = arith.constant 1024 : i32
      %parallel_loop3A_186 = arith.constant 1 : i32
      scf.for %parallel_loop3A_199 = %parallel_loop3A_184 to %parallel_loop3A_185 step %parallel_loop3A_186  : i32 {
        %parallel_loop3A_200 = arith.constant 16 : i32
        %parallel_loop3A_201 = arith.muli %parallel_loop3A_199, %parallel_loop3A_200 : i32
        %parallel_loop3A_202 = arith.index_cast %parallel_loop3A_201 : i32 to index
        %parallel_loop3A_203 = tpu.vector_load %arg9[%parallel_loop3A_202] {strides = array<i32>} : memref<16384xf32, #tpu.memory_space<vmem>>, vector<16xf32>,
        %parallel_loop3A_204 = arith.constant 1.66666663 : f32
        %parallel_loop3A_205 = vector.broadcast %parallel_loop3A_204 : f32 to vector<16xf32>
        %parallel_loop3A_206 = arith.mulf %parallel_loop3A_203, %parallel_loop3A_205 : vector<16xf32>
        %parallel_loop3A_207 = arith.constant 5.000000e+00 : f32
        %parallel_loop3A_208 = vector.broadcast %parallel_loop3A_207 : f32 to vector<16xf32>
        %parallel_loop3A_209 = arith.addf %parallel_loop3A_206, %parallel_loop3A_208 : vector<16xf32>
        %parallel_loop3A_210 = arith.constant 1.66666665E-4 : f32
        %parallel_loop3A_211 = arith.constant 9.9998331 : f32
        %parallel_loop3A_212 = vector.broadcast %parallel_loop3A_210 : f32 to vector<16xf32>
        %parallel_loop3A_213 = arith.maximumf %parallel_loop3A_212, %parallel_loop3A_209 : vector<16xf32>
        %parallel_loop3A_214 = vector.broadcast %parallel_loop3A_211 : f32 to vector<16xf32>
        %parallel_loop3A_215 = arith.minimumf %parallel_loop3A_214, %parallel_loop3A_213 : vector<16xf32>
        %parallel_loop3A_216 = arith.fptosi %parallel_loop3A_215 : vector<16xf32> to vector<16xi32>
        %parallel_loop3A_217 = tpu.vector_load_idx %arg6[%parallel_loop3A_216] : memref<16xf32, #tpu.memory_space<vmem>>[vector<16xi32>], vector<16xf32>,
        %parallel_loop3A_218 = tpu.vector_load_idx %arg7[%parallel_loop3A_216] : memref<16xf32, #tpu.memory_space<vmem>>[vector<16xi32>], vector<16xf32>,
        %parallel_loop3A_219 = arith.mulf %parallel_loop3A_215, %parallel_loop3A_218 : vector<16xf32>
        %parallel_loop3A_220 = arith.addf %parallel_loop3A_217, %parallel_loop3A_219 : vector<16xf32>
        %parallel_loop3A_221 = arith.constant 16 : i32
        %parallel_loop3A_222 = arith.muli %parallel_loop3A_199, %parallel_loop3A_221 : i32
        %parallel_loop3A_223 = arith.index_cast %parallel_loop3A_222 : i32 to index
        %parallel_loop3A_224 = tpu.vector_load %arg11[%parallel_loop3A_223] {strides = array<i32>} : memref<16384xf32, #tpu.memory_space<vmem>>, vector<16xf32>,
        tpu.vector_store %arg11[%parallel_loop3A_223], %parallel_loop3A_220 {strides = array<i32>} : memref<16384xf32, #tpu.memory_space<vmem>>, vector<16xf32>,
      } {sc.loop_unroll_factor = 8 : i64, sc.parallel_access}
      %mul3A_187 = arith.constant 16384 : i32
      %mul3A_188 = arith.muli %add3A_174, %mul3A_187 : i32
      %add3A_189 = arith.addi %mul3A_2, %mul3A_188 : i32
      %dma_start3A_190 = tpu.memref_slice %arg4[%add3A_189] : memref<16777216xf32, #tpu.memory_space<hbm>> -> memref<16384xf32, #tpu.memory_space<hbm>>
      %dma_start3A_191 = tpu.memref_slice %arg4[%add3A_189] : memref<16777216xf32, #tpu.memory_space<hbm>> -> memref<16384xf32, #tpu.memory_space<hbm>>
      tpu.enqueue_dma source(%arg11 : memref<16384xf32, #tpu.memory_space<vmem>>) target(%dma_start3A_191 : memref<16384xf32, #tpu.memory_space<hbm>>) target_semaphore(%arg15 : memref<!tpu.dma_semaphore, #tpu.memory_space<semaphore_mem>>)
      %add3A_192 = arith.constant 2 : i32
      %add3A_193 = arith.addi %add3A_174, %add3A_192 : i32
      %lt3A_194 = arith.constant 32 : i32
      %lt3A_195 = arith.cmpi slt, %add3A_193, %lt3A_194 : i32
      %convert_element_type3A_196 = arith.extui %lt3A_195 : i1 to i32
      %cond3A_197 = arith.constant 0 : i32
      %cond3A_198 = arith.cmpi ne, %convert_element_type3A_196, %cond3A_197 : i32
      scf.if %cond3A_198 {
        %add3A_199 = arith.constant 2 : i32
        %add3A_200 = arith.addi %add3A_174, %add3A_199 : i32
        %mul3A_201 = arith.constant 16384 : i32
        %mul3A_202 = arith.muli %add3A_200, %mul3A_201 : i32
        %add3A_203 = arith.addi %mul3A_2, %mul3A_202 : i32
        %dma_start3A_204 = tpu.memref_slice %arg2[%add3A_203] : memref<16777216xf32, #tpu.memory_space<hbm>> -> memref<16384xf32, #tpu.memory_space<hbm>>
        %dma_start3A_205 = tpu.memref_slice %arg2[%add3A_203] : memref<16777216xf32, #tpu.memory_space<hbm>> -> memref<16384xf32, #tpu.memory_space<hbm>>
        tpu.enqueue_dma source(%dma_start3A_205 : memref<16384xf32, #tpu.memory_space<hbm>>) target(%arg9 : memref<16384xf32, #tpu.memory_space<vmem>>) target_semaphore(%arg13 : memref<!tpu.dma_semaphore, #tpu.memory_space<semaphore_mem>>)
      } else {
      }
    }
    %scan3A_132 = arith.constant 16 : i32
    %add3A_133 = arith.constant 0 : i32
    %add3A_134 = arith.addi %mul3A_2, %add3A_133 : i32
    %dma_wait3A = tpu.memref_slice %arg4[%add3A_134] : memref<16777216xf32, #tpu.memory_space<hbm>> -> memref<16384xf32, #tpu.memory_space<hbm>>
    %dma_wait3A_135 = tpu.memref_slice %arg4[%add3A_134] : memref<16777216xf32, #tpu.memory_space<hbm>> -> memref<16384xf32, #tpu.memory_space<hbm>>
    tpu.wait_dma2 semaphore(%arg14 : memref<!tpu.dma_semaphore, #tpu.memory_space<semaphore_mem>>) src(%arg10 : memref<16384xf32, #tpu.memory_space<vmem>>) dst(%dma_wait3A_135 : memref<16384xf32, #tpu.memory_space<hbm>>)
    %add3A_136 = arith.constant 0 : i32
    %add3A_137 = arith.addi %mul3A_2, %add3A_136 : i32
    %dma_wait3A_138 = tpu.memref_slice %arg4[%add3A_137] : memref<16777216xf32, #tpu.memory_space<hbm>> -> memref<16384xf32, #tpu.memory_space<hbm>>
    %dma_wait3A_139 = tpu.memref_slice %arg4[%add3A_137] : memref<16777216xf32, #tpu.memory_space<hbm>> -> memref<16384xf32, #tpu.memory_space<hbm>>
    tpu.wait_dma2 semaphore(%arg15 : memref<!tpu.dma_semaphore, #tpu.memory_space<semaphore_mem>>) src(%arg11 : memref<16384xf32, #tpu.memory_space<vmem>>) dst(%dma_wait3A_139 : memref<16384xf32, #tpu.memory_space<hbm>>)
    return
  }
}

</mosaic_0001>

<sc_bundles>
// kernel: kernel.3.cloned.1.call-start
scs
__scs_entry_jumppad:
0x0: {  	(pc) =	sbr.rel $0x88, $3  }
0x1: {  	(tag) =	ssettag $0x0;
	lr =	simm.s32 $0x1  }
0x2: {  	[smem:$0x3F9F] =	sst lr;
	_ =	strace $0xD0000000  }
0x3: {  	_ = 	snop  }
0x4: {  	_ = 	snop  }
0x5: {  	_ = 	snop  }
0x6: {  	_ = 	snop  }
0x7: {  	_ = 	snop  }
__scs_overlays_trampoline_lowered:
0x8: {  	[smem:$0x3FAE] =	sst s0  }
0x9: {  	[smem:$0x3FAF] =	sst s1  }
0xa: {  	[smem:$0x3FB0] =	sst s2  }
0xb: {  	[smem:$0x3FB1] =	sst s3  }
0xc: {  	[smem:$0x3FB2] =	sst s4  }
0xd: {  	[smem:$0x3FB3] =	sst s5  }
0xe: {  	[smem:$0x3FB4] =	sst s6  }
0xf: {  	[smem:$0x3FB5] =	sst s7  }
0x10: {  	[smem:$0x3FB6] =	sst s8  }
0x11: {  	[smem:$0x3FB7] =	sst s9;
	s0 =	simm.s32 @!p0 $0x0  }
0x12: {  	s1 =	sld [smem:$0x3F9D];
	s0 =	simm.s32 @p0 $0x1  }
0x13: {  	[smem:$0x3FB8] =	sst s0;
	s0 =	simm.s32 @!p1 $0x0  }
0x14: {  	s2 =	sld [smem:$0x3F9C];
	s0 =	simm.s32 @p1 $0x1  }
0x15: {  	[smem:$0x3FB9] =	sst s0;
	s0 =	simm.s32 @!p2 $0x0  }
0x16: {  	s3 =	sld [smem:$0x3FDB];
	s0 =	simm.s32 @p2 $0x1  }
0x17: {  	s4 =	simm.s32 $0x1BF5;
	[smem:$0x3FBB] =	sst s0  }
0x18: {  	s0 =	sld [smem:$0x3F9E];
	_ =	swait.ge [sflag:s4], $0x0  }
0x19: {  	s7 =	sld [smem:$0x3F9F]  }
0x1a: {  	s8 =	sadd.s32 $0xFFFFE003, lr  }
0x1b: {  	s9 =	sadd.s32 $0xFFFFFEF7, lr;
	s5 =	simm.s32 $0xFFFFFFFF;
	p2 =	slt.u32 s8, $0xFFFFF086  }
0x1c: {  	p1 =	slt.u32 s9, $0xF7A;
	s5 =	simm.s32 @!p2 $0x0  }
0x1d: {  	s5 =	simm.s32 @p1 $0x1;
	p0 =	seq.s32 s7, s2  }
0x1e: {  	s7 =	smul.u32 @!p0 $0xF7A, s2;
	p2 =	seq.s32 @!p0 s5, $0x0  }
0x1f: {  	s9 =	smul.u32 $0xF7A, s1;
	s8 =	simm.s32 @!p0 $0x1BF5;
	p2 =	por !p2, p0  }
0x20: {  	[sflag:s8] =	ssyncset.s32 @!p0 $0xFFFFF086;
	s6 =	sadd.s32 @!p0 s3, s7;
	s7 =	simm.s32 @!p0 $0x108  }
0x21: {  	s3 =	sadd.s32 s3, s9;
	s6 =	sadd.s32 @!p0 $0x88, s6;
	s7 =	simm.s32 @p2 $0x1082  }
0x22: {  	[simem:s7], [sflag:s8] =	dma.local @!p0 [hbm:s6], $0xF7A  }
0x23: {  	s9 =	sor.u32 $0xD0000000, s2;
	s6 =	simm.s32 $0x108;
	_ =	swait.ge @!p0 [sflag:s8], $0x0  }
0x24: {  	s3 =	sadd.s32 $0x88, s3;
	s6 =	simm.s32 @!p1 $0x1082;
	[sflag:s4] =	ssyncset.s32 $0xFFFFF086  }
0x25: {  	[simem:s6], [sflag:s4] =	dma.local [hbm:s3], $0xF7A  }
0x26: {  	[smem:$0x3F9F] =	sst s1;
	(tag) =	ssettag s2;
	_ =	strace s9  }
0x27: {  	s1 =	sld [smem:$0x3FAF]  }
0x28: {  	s2 =	sld [smem:$0x3FB0]  }
0x29: {  	s4 =	sld [smem:$0x3FB2]  }
0x2a: {  	p0 =	seq.s32 s5, $0x0;
	s5 =	sld [smem:$0x3FB3]  }
0x2b: {  	s6 =	sld [smem:$0x3FB4]  }
0x2c: {  	s7 =	sld [smem:$0x3FB5]  }
0x2d: {  	s3 =	simm.s32 $0x108;
	s8 =	sld [smem:$0x3FB6]  }
0x2e: {  	s3 =	simm.s32 @!p0 $0x1082;
	s9 =	sld [smem:$0x3FB7]  }
0x2f: {  	lr =	sadd.s32 s0, s3;
	s0 =	sld [smem:$0x3FAE]  }
0x30: {  	s3 =	sld [smem:$0x3FB1]  }
0x31: {  	[smem:$0x3FBA] =	sst s10  }
0x32: {  	s10 =	sld [smem:$0x3FB8];
	_ =	sdelay $0x3  }
0x33: {  	p0 =	seq.s32 s10, $0x1;
	s10 =	sld [smem:$0x3FBA];
	_ =	sdelay $0x3  }
0x34: {  	[smem:$0x3FBA] =	sst s10  }
0x35: {  	s10 =	sld [smem:$0x3FB9];
	_ =	sdelay $0x3  }
0x36: {  	p1 =	seq.s32 s10, $0x1;
	s10 =	sld [smem:$0x3FBA];
	_ =	sdelay $0x3  }
0x37: {  	[smem:$0x3FBA] =	sst s10  }
0x38: {  	s10 =	sld [smem:$0x3FBB]  }
0x39: {  	_ = 	snop;
	(pc) =	sbr.ind lr, $3  }
0x3a: {  	_ = 	snop  }
0x3b: {  	_ = 	snop  }
0x3c: {  	p2 =	seq.s32 s10, $0x1;
	s10 =	sld [smem:$0x3FBA]  }
0x3d: {  	_ =	shalt  }
0x3e: {  	_ =	shalt  }
0x3f: {  	_ =	shalt  }
0x40: {  	_ =	shalt  }
0x41: {  	_ =	shalt  }
0x42: {  	_ =	shalt  }
0x43: {  	_ =	shalt  }
0x44: {  	_ =	shalt  }
0x45: {  	_ =	shalt  }
0x46: {  	_ =	shalt  }
0x47: {  	_ =	shalt  }
0x48: {  	_ =	shalt  }
0x49: {  	_ =	shalt  }
0x4a: {  	_ =	shalt  }
0x4b: {  	_ =	shalt  }
0x4c: {  	_ =	shalt  }
0x4d: {  	_ =	shalt  }
0x4e: {  	_ =	shalt  }
0x4f: {  	_ =	shalt  }
0x50: {  	_ =	shalt  }
0x51: {  	_ =	shalt  }
0x52: {  	_ =	shalt  }
0x53: {  	_ =	shalt  }
0x54: {  	_ =	shalt  }
0x55: {  	_ =	shalt  }
0x56: {  	_ =	shalt  }
0x57: {  	_ =	shalt  }
0x58: {  	_ =	shalt  }
0x59: {  	_ =	shalt  }
0x5a: {  	_ =	shalt  }
0x5b: {  	_ =	shalt  }
0x5c: {  	_ =	shalt  }
0x5d: {  	_ =	shalt  }
0x5e: {  	_ =	shalt  }
0x5f: {  	_ =	shalt  }
0x60: {  	_ =	shalt  }
0x61: {  	_ =	shalt  }
0x62: {  	_ =	shalt  }
0x63: {  	_ =	shalt  }
0x64: {  	_ =	shalt  }
0x65: {  	_ =	shalt  }
0x66: {  	_ =	shalt  }
0x67: {  	_ =	shalt  }
0x68: {  	_ =	shalt  }
0x69: {  	_ =	shalt  }
0x6a: {  	_ =	shalt  }
0x6b: {  	_ =	shalt  }
0x6c: {  	_ =	shalt  }
0x6d: {  	_ =	shalt  }
0x6e: {  	_ =	shalt  }
0x6f: {  	_ =	shalt  }
0x70: {  	_ =	shalt  }
0x71: {  	_ =	shalt  }
0x72: {  	_ =	shalt  }
0x73: {  	_ =	shalt  }
0x74: {  	_ =	shalt  }
0x75: {  	_ =	shalt  }
0x76: {  	_ =	shalt  }
0x77: {  	_ =	shalt  }
0x78: {  	_ =	shalt  }
0x79: {  	_ =	shalt  }
0x7a: {  	_ =	shalt  }
0x7b: {  	_ =	shalt  }
0x7c: {  	_ =	shalt  }
0x7d: {  	_ =	shalt  }
0x7e: {  	_ =	shalt  }
0x7f: {  	_ =	shalt  }
0x80: {  	_ =	shalt  }
0x81: {  	_ =	shalt  }
0x82: {  	_ =	shalt  }
0x83: {  	_ =	shalt  }
0x84: {  	_ =	shalt  }
0x85: {  	_ =	shalt  }
0x86: {  	_ =	shalt  }
0x87: {  	_ =	shalt  }
.Lfunc_end0:
.L_simem_size_0:
called_computation_lowered:
.L_overlay_start_0:
0x88: {  	s2 =	sld [smem:$0x3FD9]  }
0x89: {  	s3 =	sld [smem:$0x3FFE];
	_ =	sdelay $0x1  }
0x8a: {  	s1 =	srdreg.scid  }
0x8b: {  	s0 =	sand.u32 $0x1, s1  }
0x8c: {  	s18 =	sshll.u32 s0, $0xA;
	s2 =	sadd.s32 s3, s2  }
0x8d: {  	s2 =	sadd.s32 s2, s18  }
0x8e: {  	[smem:$0x3FC6] =	sst s2  }
0x8f: {  	_ = 	snop  }
0x90: {  	s2 =	sld [smem:$0x3FC9]  }
0x91: {  	s19 =	sld [smem:$0x3FC8]  }
0x92: {  	s4 =	sld [smem:$0x3FD0];
	(tm) =	ssettm $0x1  }
0x93: {  	s5 =	sld [smem:$0x3FFB];
	_ =	sdelay $0x3  }
0x94: {  	_ =	strace s5  }
0x95: {  	s5 =	sld [smem:$0x3FFC];
	_ =	sdelay $0x3  }
0x96: {  	_ =	strace s5  }
0x97: {  	s5 =	sld [smem:$0x3FFD];
	_ =	sdelay $0x3  }
0x98: {  	_ =	strace s5  }
0x99: {  	_ =	strace $0x8FFFFFFF  }
0x9a: {  	s20 =	sld [smem:$0x3FDB];
	_ =	sdelay $0x1  }
0x9b: {  	s6 =	simm.s32 $_scs_section_size  }
0x9c: {  	s7 =	simm.s32 $_size__tile_overlayer_lowered;
	s8 =	simm.s32 $_tile_overlayer_lowered  }
0x9d: {  	s23 =	simm.s32 $0x1BFF;
	s22 =	sshll.u32 s8, $0x1;
	s5 =	sadd.s32 s6, s20  }
0x9e: {  	s9 =	simm.s32 $0x0;
	s21 =	sshll.u32 s7, $0x1;
	s7 =	sadd.s32 s22, s5  }
0x9f: {  	[timem:s9], [sflag:s23] =	dma.local [hbm:s7], s21  }
0xa0: {  	_ =	swait.ge [sflag:s23], s21  }
0xa1: {  	s6 =	ssub.s32 $0x0, s21;
	[sflag:s23] =	ssyncset.done $0x0  }
0xa2: {  	[sflag:s23] =	ssyncadd.s32 s6;
	_ =	sdelay $0x1  }
0xa3: {  	s24 =	simm.s32 $0x1B8B  }
0xa4: {  	_ =	swait.ge [sflag:s24], $0x1  }
0xa5: {  	[sflag:s24] =	ssyncset.done $0x0  }
0xa6: {  	s25 =	simm.s32 $0x1B8E;
	[sflag:s24] =	ssyncadd.s32 $0xFFFFFFFF  }
0xa7: {  	s26 =	simm.s32 $execute0_lowered;
	[smem:$0x3FD2] =	sst s25  }
0xa8: {  	s6 =	sshll.u32 s26, $0x1;
	_ =	strace $0x80000046;
	[dreg:$0x1] =	wrdreg $0xFFFFFFFF  }
0xa9: {  	s28 =	simm.s32 $_size_execute0_lowered;
	s5 =	sadd.s32 s5, s6;
	[dreg:$0x0] =	wrdreg $0x0  }
0xaa: {  	s6 =	sshll.u32 s28, $0x1;
	[dreg:$0x2] =	wrdreg s5  }
0xab: {  	[dreg:$0x3] =	wrdreg s6  }
0xac: {  	[dreg:$0x4] =	wrdreg $0xC0  }
0xad: {  	_ =	task [dreg:s9], $0x5FFFF  }
0xae: {  	[dreg:$0x1] =	wrdreg $0xFFFFFFFF  }
0xaf: {  	[dreg:$0x0] =	wrdreg $0x60  }
0xb0: {  	[dreg:$0x2] =	wrdreg s2  }
0xb1: {  	[dreg:$0x3] =	wrdreg s19  }
0xb2: {  	[dreg:$0x4] =	wrdreg s4  }
0xb3: {  	[dreg:$0x5] =	wrdreg $0x9  }
0xb4: {  	_ =	task.clear_ibuf [dreg:s9], $0x6FFFF;
	_ =	strace $0x90000046  }
0xb5: {  	s29 =	simm.s32 $0x9;
	_ =	strace $0x80000048  }
0xb6: {  	_ =	swait.ge [sflag:s29], $0x1  }
0xb7: {  	[sflag:s29] =	ssyncadd.s32 $0xFFFFFFFF  }
0xb8: {  	_ =	strace $0x90000048  }
0xb9: {  	_ =	sfence  }
0xba: {  	s30 =	sld [smem:$0x0];
	_ =	sdelay $0x2  }
0xbb: {  	s31 =	sshll.u32 s1, $0xD;
	s1 =	sshrl.u32 s1, $0x2  }
0xbc: {  	s3 =	sand.u32 $0x4000, s31;
	s1 =	sadd.s32 s1, s30  }
0xbd: {  	s0 =	sor.u32 s3, s0;
	s1 =	sshll.u32 s1, $0x11  }
0xbe: {  	s0 =	sor.u32 s1, s0  }
0xbf: {  	s0 =	sadd.s32 $0x8F2B, s0  }
0xc0: {  	[sflag:s0] =	ssyncadd.remote.s32 $0x1  }
0xc1: {  	_ =	sfence.sel $0xFFFF  }
0xc2: {  	[dreg:$0x0] =	wrdreg $0xFFFFFFFF;
	(pc) =	sbr.abs _section_cstart, $3  }
0xc3: {  	[dreg:$0x1] =	wrdreg $0xFFFFFFFF  }
0xc4: {  	_ =	task.clear_ibuf [dreg:s9], $0x2FFFF;
	_ =	strace $0x9FFFFFFF  }
0xc5: {  	(tm) =	ssettm $0x7FFFFFFF  }
tec
execute0_lowered:
.L_overlay_start_1:
0x0: {  	(tag) =	ssettag $0x1  }
0x1: {  	v0 =	vimm.s32 $0x65432100  }
0x2: {  	v1 =	vimm.s32 $0xEDCBA987;
	v2 =	vimm.s32 $0xDCBA9876;
	v3 =	vimm.s32 $0x54321000  }
0x3: {  	vm0 =	vmmov $0x3ff;
	v1 =	vunpack.c.l.s4.s8 v1;
	v2 =	vunpack.c.l.s4.s8 v2  }
0x4: {  	v4 =	vimm.s32 $0xBA987654;
	v0 =	vunpack.c.l.s4.s8 v0;
	v3 =	vunpack.c.l.s4.s8 v3  }
0x5: {  	v5 =	vimm.s32 $0x32100000;
	v1 =	vunpack.c.0.s8.s32 v1;
	v2 =	vunpack.c.0.s8.s32 v2  }
0x6: {  	v4 =	vunpack.c.l.s4.s8 v4;
	v0 =	vunpack.c.0.s8.s32 v0;
	v3 =	vunpack.c.0.s8.s32 v3  }
0x7: {  	v5 =	vunpack.c.l.s4.s8 v5;
	v1 =	vand.u32 $0xF, v1;
	v2 =	vand.u32 $0xF, v2  }
0x8: {  	vm1 =	vcmask $0x300;
	v0 =	vcombine.low v0, v1;
	v1 =	vcombine.low v3, v2  }
0x9: {  	v2 =	vunpack.c.0.s8.s32 v4;
	v3 =	vunpack.c.0.s8.s32 v5;
	v4 =	vimm.f32 $-1.600000000e+01  }
0xa: {  	v5 =	vimm.s32 $0xE40000;
	v4 =	vsel vm1, $0xBF800000, v4;
	vm1 =	vcmask $0x704  }
0xb: {  	v5 =	vunpack.c.l.s2.s4 v5;
	v4 =	vsel vm1, $0xC0000000, v4;
	vm1 =	vcmask $0xB08  }
0xc: {  	s0 =	rddreg [dreg:$0x0];
	v2 =	vand.u32 $0xF, v2;
	v4 =	vsel vm1, $0xC0400000, v4;
	vm1 =	vcmask $0xF0C  }
0xd: {  	s3 =	srdreg.scid;
	s2 =	rddreg [dreg:$0x1];
	v2 =	vcombine.low v3, v2;
	v3 =	vsel vm1, $0xC0800000, v4;
	vm1 =	vcmask $0x1310  }
0xe: {  	s1 =	stileid.u32;
	s4 =	rddreg [dreg:$0x2];
	vm2 =	vcmask $0x3F30;
	v3 =	vsel vm1, $0xC0A00000, v3;
	vm1 =	vcmask $0x1714  }
0xf: {  	s12 =	simm.s32 $0x180;
	s13 =	simm.s32 $0x4180;
	s14 =	simm.s32 $0x5;
	v4 =	vunpack.c.l.s4.s8 v5;
	v3 =	vsel vm1, $0xC0C00000, v3;
	vm1 =	vcmask $0x1B18  }
0x10: {  	s15 =	simm.s32 $0x1;
	s16 =	simm.s32 $0x80;
	s17 =	simm.s32 $0x100;
	v5 =	vimm.s32 $0x7060504;
	v3 =	vsel vm1, $0xC0E00000, v3;
	vm1 =	vcmask $0x1F1C  }
0x11: {  	s18 =	simm.s32 $0x8180;
	s19 =	simm.s32 $0x2;
	s20 =	simm.s32 $0x4;
	v4 =	vunpack.c.0.s8.s32 v4;
	v3 =	vsel vm1, $0xC1000000, v3;
	vm1 =	vcmask $0x2320  }
0x12: {  	s21 =	simm.s32 $0xC180;
	s22 =	simm.s32 $0x3;
	s23 =	simm.s32 $0x0;
	v5 =	vunpack.c.0.s8.s32 v5;
	v3 =	vsel vm1, $0xC1100000, v3;
	vm1 =	vcmask $0x2724  }
0x13: {  	s7 =	sand.u32 $0x1, s3;
	s5 =	sshll.u32 s1, $0x14;
	s3 =	rddreg [dreg:$0x3];
	v4 =	vand.u32 $0x3, v4;
	v6 =	vsel vm1, $0xC1200000, v3;
	vm1 =	vcmask $0x2B28  }
.Ltmp0:
0x14: {  	s6 =	sshll.u32 s7, $0x13;
	s8 =	ssub.s32 $0x2, s7;
	v3 =	vsel vm2, v5, v4;
	v5 =	vsel vm1, $0xC1300000, v6;
	vm1 =	vcmask $0x2F2C;
	(pc) =	sbr.rel .LBB2_1-.Ltmp0, $4  }
0x15: {  	vm4 =	vcmask $0x3B38;
	s5 =	sor.u32 s6, s5;
	s6 =	simm.s32 $0x0;
	s9 =	sshrl.u32 s8, $0x1;
	v6 =	vsel vm1, $0xC1400000, v5;
	vm1 =	vcmask $0x3330  }
0x16: {  	vm3 =	vmmov $0xff;
	s31 =	sshrl.u32 s5, $0x3;
	[smem:$0x7FF] =	sst s6;
	s11 =	ssub.s32 s8, s9;
	vm2 =	vcmask $0x3734;
	v6 =	vsel vm1, $0xC1500000, v6  }
0x17: {  	s9 =	sor.u32 $0x8000, s5;
	s10 =	sor.u32 $0xC000, s5;
	s7 =	sadd.s32 s0, s31;
	v4 =	vimm.s32 $0xF;
	v5 =	vlaneseq.u32;
	v6 =	vsel vm2, $0xC1600000, v6  }
0x18: {  	_ =	strace $0x80000047;
	s11 =	smax.u32 s11, $0x1;
	s8 =	sadd.s32 $0x800, s7;
	vm1 =	vmmov $0x3;
	vm2 =	vmmov $0xf;
	v6 =	vsel vm4, $0xC1700000, v6  }
.LBB2_12:
0x19: {  	s23 =	sadd.s32 $0x1, s23  }
0x1a: {  	_ =	swait.ge [sflag:s22], $0x4000;
	p0 =	sne.s32 s23, s11  }
.Ltmp1:
0x1b: {  	[sflag:s22] =	ssyncset.done $0x0;
	(pc) =	sbr.rel @!p0 .LBB2_13-.Ltmp1, $4  }
0x1c: {  	[sflag:s22] =	ssyncadd.s32 $0xFFFFC000  }
0x1d: {  	_ =	swait.ge [sflag:s20], $0x4000  }
0x1e: {  	[sflag:s20] =	ssyncset.done $0x0  }
0x1f: {  	[sflag:s20] =	ssyncadd.s32 $0xFFFFC000  }
.LBB2_1:
0x20: {  	[tilespmem:s12], [sflag:$0x1] =	stream.linear.gather [hbm4b:s7+s6], $0x4000, $0x38;
	[tilespmem:$0x10180] =	vst v63  }
0x21: {  	_ = 	snop  }
0x22: {  	[tilespmem:s13], [sflag:$0x2] =	stream.linear.gather [hbm4b:s8+s6], $0x4000, $0x38;
	[tilespmem:$0x10180] =	vst v63  }
0x23: {  	_ = 	snop  }
0x24: {  	[tilespmem:s6], [sflag:$0x5] =	stream.linear.gather [hbm4b:s2+s6], $0xA, $0x38;
	[tilespmem:$0x10180] =	vst v63  }
0x25: {  	_ =	swait.ge [sflag:s14], $0xA  }
0x26: {  	[sflag:s14] =	ssyncset.done $0x0  }
0x27: {  	[sflag:s14] =	ssyncadd.s32 $0xFFFFFFF6  }
0x28: {  	v7 =	vld [tilespmem:$0x0];
	_ =	sdelay $0x4  }
0x29: {  	v7 =	vnsel vm0, $0xF149F2CA, v7  }
0x2a: {  	[tilespmem:$0x0] =	vst v7  }
0x2b: {  	v8 =	vld.idx.msk [tilespmem:v0+s6+$0x0], $0xffff;
	_ =	sdelay $0x4  }
0x2c: {  	v8 =	vmax.f32 v7, v8  }
0x2d: {  	[tilespmem:$0x0] =	vst v8  }
0x2e: {  	v9 =	vld.idx.msk [tilespmem:v1+s6+$0x0], $0xffff;
	_ =	sdelay $0x4  }
0x2f: {  	v8 =	vmax.f32 v8, v9  }
0x30: {  	[tilespmem:$0x0] =	vst v8  }
0x31: {  	v57 =	vld.idx.msk [tilespmem:v2+s6+$0x0], $0xffff;
	_ =	sdelay $0x4  }
0x32: {  	v8 =	vmax.f32 v8, v57  }
0x33: {  	[tilespmem:$0x0] =	vst v8  }
0x34: {  	v58 =	vld.idx.msk [tilespmem:v3+s6+$0x0], $0xffff;
	_ =	sdelay $0x4  }
0x35: {  	v8 =	vmax.f32 v8, v58  }
0x36: {  	[tilespmem:$0x0] =	vst v8  }
0x37: {  	v8 =	vld.idx.msk [tilespmem:v4+s6+$0x0], $0xffff;
	_ =	sdelay $0x4  }
0x38: {  	v7 =	vsub.f32 v7, v8;
	_ =	sdelay $0x1  }
0x39: {  	v7 =	vmul.f32 $1.442695020e+00, v7;
	_ =	sdelay $0x1  }
0x3a: {  	(erf) = vpow2.f32 v7;
	_ =	sdelay $0x8  }
0x3b: {  	v7 =	vpop (erf)  }
0x3c: {  	[tilespmem:$0x0] =	vst v7  }
0x3d: {  	v8 =	vld.idx.msk [tilespmem:v0+s6+$0x0], $0xffff;
	_ =	sdelay $0x3  }
0x3e: {  	vm4 =	veq.s32 v5, $0x0  }
0x3f: {  	v8 =	vsel vm4, $0x0, v8  }
0x40: {  	v8 =	vadd.f32 v8, v7;
	_ =	sdelay $0x1  }
0x41: {  	[tilespmem:$0x0] =	vst v8  }
0x42: {  	v59 =	vld.idx.msk [tilespmem:v1+s6+$0x0], $0xffff;
	_ =	sdelay $0x4  }
0x43: {  	v9 =	vsel vm1, $0x0, v59  }
0x44: {  	v8 =	vadd.f32 v9, v8;
	_ =	sdelay $0x1  }
0x45: {  	[tilespmem:$0x0] =	vst v8  }
0x46: {  	v60 =	vld.idx.msk [tilespmem:v2+s6+$0x0], $0xffff;
	_ =	sdelay $0x4  }
0x47: {  	v9 =	vsel vm2, $0x0, v60  }
0x48: {  	v8 =	vadd.f32 v9, v8;
	_ =	sdelay $0x1  }
0x49: {  	[tilespmem:$0x0] =	vst v8  }
0x4a: {  	v61 =	vld.idx.msk [tilespmem:v3+s6+$0x0], $0xffff;
	_ =	sdelay $0x4  }
0x4b: {  	v9 =	vsel vm3, $0x0, v61  }
0x4c: {  	v8 =	vadd.f32 v9, v8;
	_ =	sdelay $0x1  }
0x4d: {  	[tilespmem:$0x0] =	vst v8  }
0x4e: {  	v62 =	vld.idx.msk [tilespmem:v4+s6+$0x0], $0xffff;
	_ =	sdelay $0x4  }
0x4f: {  	(erf) = vrcp.f32 v62;
	_ =	sdelay $0x8  }
0x50: {  	v9 =	vpop (erf)  }
0x51: {  	v7 =	vmul.f32 v9, v7;
	_ =	sdelay $0x1  }
0x52: {  	v8 =	vmul.f32 v9, v8;
	v63 =	vmul.f32 v6, v7;
	_ =	sdelay $0x1  }
0x53: {  	v8 =	vadd.f32 v63, v8  }
0x54: {  	[tilespmem:$0x100] =	vst v7  }
0x55: {  	s24 =	simm.s32 $0x0;
	[tilespmem:$0x80] =	vst v8  }
.LBB2_2:
0x56: {  	_ =	swait.ge [sflag:s15], $0x4000  }
0x57: {  	p0 =	seq.s32 s24, $0x0;
	[sflag:s15] =	ssyncset.done $0x0  }
0x58: {  	s25 =	simm.s32 @!p0 $0x3;
	[sflag:s15] =	ssyncadd.s32 $0xFFFFC000  }
0x59: {  	_ =	swait.ge @!p0 [sflag:s25], $0x4000  }
0x5a: {  	[sflag:s25] =	ssyncset.done @!p0 $0x0  }
0x5b: {  	s26 =	simm.s32 $0x1C0;
	[sflag:s25] =	ssyncadd.s32 @!p0 $0xFFFFC000  }
0x5c: {  	v7 =	vld [tilespmem:s26+$0x30]  }
0x5d: {  	v10 =	vld [tilespmem:s26+$0xFFFFFFF0];
	_ =	sdelay $0x1  }
0x5e: {  	s31 =	simm.s32 $0x240;
	v8 =	vld [tilespmem:s26+$0xFFFFFFD0]  }
0x5f: {  	v24 =	vld [tilespmem:s31+$0xFFFFFFE0]  }
0x60: {  	v28 =	vld [tilespmem:s31+$0x0]  }
0x61: {  	v9 =	vld [tilespmem:s26+$0xFFFFFFE0];
	v7 =	vmul.f32 $1.666666630e+00, v7;
	v10 =	vmul.f32 $1.666666630e+00, v10  }
0x62: {  	v11 =	vld [tilespmem:s26+$0x0]  }
0x63: {  	v12 =	vld [tilespmem:s26+$0x10];
	v7 =	vadd.f32 $5.000000000e+00, v7;
	v10 =	vadd.f32 $5.000000000e+00, v10  }
0x64: {  	v13 =	vld [tilespmem:s26+$0xFFFFFFC0];
	v8 =	vmul.f32 $1.666666630e+00, v8;
	v24 =	vmul.f32 $1.666666630e+00, v24  }
0x65: {  	v14 =	vld [tilespmem:s26+$0x20];
	v29 =	vmul.f32 $1.666666630e+00, v28;
	v7 =	vmax.f32 v7, $1.666666650e-04;
	v10 =	vmax.f32 v10, $1.666666650e-04  }
0x66: {  	v15 =	vmin.f32 v7, $9.999833100e+00;
	v7 =	vmul.f32 $1.666666630e+00, v9;
	v10 =	vmin.f32 v10, $9.999833100e+00  }
0x67: {  	v8 =	vadd.f32 $5.000000000e+00, v8;
	v9 =	vtrunc.f32 v15;
	v22 =	vtrunc.f32 v10  }
0x68: {  	v24 =	vadd.f32 $5.000000000e+00, v24;
	v16 =	vcvt.f32.s32 v9;
	v9 =	vmul.f32 $1.666666630e+00, v11  }
0x69: {  	v11 =	vmul.f32 $1.666666630e+00, v12;
	v7 =	vadd.f32 $5.000000000e+00, v7;
	v12 =	vmul.f32 $1.666666630e+00, v13  }
0x6a: {  	v8 =	vmax.f32 v8, $1.666666650e-04;
	v13 =	vmul.f32 $1.666666630e+00, v14;
	v37 =	vcvt.f32.s32 v22  }
0x6b: {  	v9 =	vadd.f32 $5.000000000e+00, v9;
	v11 =	vadd.f32 $5.000000000e+00, v11;
	v14 =	vmax.f32 v7, $1.666666650e-04  }
0x6c: {  	v21 =	vld [tilespmem:s31+$0x30];
	v12 =	vadd.f32 $5.000000000e+00, v12;
	v13 =	vadd.f32 $5.000000000e+00, v13;
	v7 =	vmin.f32 v8, $9.999833100e+00  }
0x6d: {  	v23 =	vld [tilespmem:s31+$0xFFFFFFD0];
	v20 =	vtrunc.f32 v7;
	v17 =	vmax.f32 v9, $1.666666650e-04;
	v18 =	vmax.f32 v11, $1.666666650e-04  }
0x6e: {  	v22 =	vld [tilespmem:s31+$0x10];
	v8 =	vmax.f32 v12, $1.666666650e-04;
	v9 =	vmin.f32 v14, $9.999833100e+00;
	v26 =	vcvt.f32.s32 v20  }
0x6f: {  	v8 =	vmin.f32 v8, $9.999833100e+00;
	v11 =	vmin.f32 v17, $9.999833100e+00;
	v17 =	vtrunc.f32 v9;
	v19 =	vld.idx.msk [tilespmem:v16+s17+$0x0], $0xffff  }
0x70: {  	v12 =	vmin.f32 v18, $9.999833100e+00;
	v14 =	vld.idx.msk [tilespmem:v16+s16+$0x0], $0xffff;
	v16 =	vtrunc.f32 v8;
	v18 =	vtrunc.f32 v11  }
0x71: {  	v32 =	vadd.f32 $5.000000000e+00, v29;
	v20 =	vld [tilespmem:s31+$0xFFFFFFF0];
	v25 =	vtrunc.f32 v12;
	v33 =	vcvt.f32.s32 v17  }
0x72: {  	v13 =	vmax.f32 v13, $1.666666650e-04;
	v17 =	vmul.f32 $1.666666630e+00, v21;
	v21 =	vmul.f32 $1.666666630e+00, v23;
	v23 =	vld [tilespmem:s31+$0xFFFFFFC0]  }
0x73: {  	v13 =	vmin.f32 v13, $9.999833100e+00;
	v16 =	vcvt.f32.s32 v16;
	v38 =	vcvt.f32.s32 v18;
	v18 =	vld [tilespmem:s31+$0x20]  }
0x74: {  	v39 =	vcvt.f32.s32 v25;
	v17 =	vadd.f32 $5.000000000e+00, v17;
	v25 =	vadd.f32 $5.000000000e+00, v21;
	v21 =	vld.idx.msk [tilespmem:v37+s17+$0x0], $0xffff  }
0x75: {  	v24 =	vmax.f32 v24, $1.666666650e-04;
	v22 =	vmul.f32 $1.666666630e+00, v22;
	v27 =	vtrunc.f32 v13;
	v37 =	vld.idx.msk [tilespmem:v37+s16+$0x0], $0xffff  }
0x76: {  	v40 =	vcvt.f32.s32 v27;
	v27 =	vmul.f32 $1.666666630e+00, v20;
	v20 =	vmax.f32 v17, $1.666666650e-04;
	v17 =	vld.idx.msk [tilespmem:v26+s17+$0x0], $0xffff  }
0x77: {  	v41 =	vmax.f32 v32, $1.666666650e-04;
	v32 =	vmin.f32 v24, $9.999833100e+00;
	v34 =	vld.idx.msk [tilespmem:v26+s16+$0x0], $0xffff;
	v30 =	vmin.f32 v20, $9.999833100e+00  }
0x78: {  	v22 =	vadd.f32 $5.000000000e+00, v22;
	v23 =	vmul.f32 $1.666666630e+00, v23;
	v20 =	vld.idx.msk [tilespmem:v33+s17+$0x0], $0xffff;
	v28 =	vtrunc.f32 v30  }
0x79: {  	v25 =	vmax.f32 v25, $1.666666650e-04;
	v31 =	vadd.f32 $5.000000000e+00, v27;
	v33 =	vld.idx.msk [tilespmem:v33+s16+$0x0], $0xffff;
	v42 =	vcvt.f32.s32 v28  }
0x7a: {  	v19 =	vmul.f32 v15, v19;
	v18 =	vmul.f32 $1.666666630e+00, v18;
	v15 =	vld.idx.msk [tilespmem:v16+s17+$0x0], $0xffff;
	v23 =	vadd.f32 $5.000000000e+00, v23  }
0x7b: {  	v36 =	vmax.f32 v31, $1.666666650e-04;
	v31 =	vmin.f32 v25, $9.999833100e+00;
	v35 =	vld.idx.msk [tilespmem:v16+s16+$0x0], $0xffff;
	v16 =	vmax.f32 v22, $1.666666650e-04  }
0x7c: {  	v28 =	vld.idx.msk [tilespmem:v38+s17+$0x0], $0xffff;
	v22 =	vmin.f32 v41, $9.999833100e+00;
	v14 =	vadd.f32 v19, v14;
	v18 =	vadd.f32 $5.000000000e+00, v18  }
0x7d: {  	v27 =	vld.idx.msk [tilespmem:v39+s17+$0x0], $0xffff;
	v24 =	vmin.f32 v36, $9.999833100e+00;
	v45 =	vtrunc.f32 v31;
	v47 =	vtrunc.f32 v22  }
0x7e: {  	s28 =	simm.s32 $0x81C0;
	v29 =	vld.idx.msk [tilespmem:v40+s17+$0x0], $0xffff;
	v46 =	vtrunc.f32 v24;
	v25 =	vmax.f32 v18, $1.666666650e-04;
	v18 =	vmax.f32 v23, $1.666666650e-04  }
0x7f: {  	[tilespmem:s28+$0x30] =	vst v14;
	v14 =	vcvt.f32.s32 v47;
	v36 =	vmin.f32 v18, $9.999833100e+00;
	v18 =	vmin.f32 v16, $9.999833100e+00;
	v41 =	vld.idx.msk [tilespmem:v42+s17+$0x0], $0xffff  }
0x80: {  	v38 =	vld.idx.msk [tilespmem:v38+s16+$0x0], $0xffff;
	v16 =	vtrunc.f32 v32;
	v23 =	vmin.f32 v25, $9.999833100e+00;
	v26 =	vtrunc.f32 v36  }
0x81: {  	v43 =	vtrunc.f32 v18;
	v44 =	vtrunc.f32 v23;
	v42 =	vld.idx.msk [tilespmem:v42+s16+$0x0], $0xffff  }
0x82: {  	s29 =	simm.s32 $0x8;
	v39 =	vld.idx.msk [tilespmem:v39+s16+$0x0], $0xffff;
	v19 =	vcvt.f32.s32 v16;
	v16 =	vcvt.f32.s32 v46  }
0x83: {  	s30 =	simm.s32 $0x2C0;
	s25 =	sshll.u32 s24, $0xF;
	s26 =	simm.s32 $0x81C0;
	v40 =	vld.idx.msk [tilespmem:v40+s16+$0x0], $0xffff;
	v25 =	vcvt.f32.s32 v26;
	v26 =	vcvt.f32.s32 v45  }
.LBB2_3:
0x84: {  	v45 =	vld [tilespmem:s30+$0x30];
	s29 =	sadd.s32 $0x8, s29;
	v46 =	vcvt.f32.s32 v43;
	v30 =	vmul.f32 v30, v41  }
0x85: {  	v47 =	vcvt.f32.s32 v44;
	v15 =	vmul.f32 v8, v15;
	v8 =	vmov v36;
	v41 =	vld [tilespmem:s30+$0xFFFFFFD0];
	p1 =	slt.u32 s29, $0x3F8  }
0x86: {  	v17 =	vmul.f32 v7, v17;
	v20 =	vmul.f32 v9, v20;
	v7 =	vmovc v31;
	v36 =	vld [tilespmem:s30+$0xFFFFFFE0];
	v30 =	vadd.f32 v30, v42  }
0x87: {  	s28 =	sadd.s32 $0x80, s28;
	v9 =	vmovc v32;
	v15 =	vadd.f32 v15, v35;
	v35 =	vmul.f32 v10, v21;
	v42 =	vmul.f32 v11, v28;
	v31 =	vld [tilespmem:s30+$0xFFFFFFF0]  }
0x88: {  	v43 =	vmul.f32 v13, v29;
	v17 =	vadd.f32 v17, v34;
	v34 =	vmul.f32 v12, v27;
	v21 =	vld [tilespmem:s30+$0x0];
	[tilespmem:s28+$0x30] =	vst v30  }
0x89: {  	v10 =	vmovc v24;
	v27 =	vld [tilespmem:s30+$0x10];
	v28 =	vmul.f32 $1.666666630e+00, v45;
	[tilespmem:s26+$0xFFFFFFC0] =	vst v15;
	v15 =	vadd.f32 v20, v33;
	v20 =	vadd.f32 v35, v37  }
0x8a: {  	v11 =	vmovc v22;
	v30 =	vadd.f32 v42, v38;
	v32 =	vadd.f32 v34, v39;
	v24 =	vmul.f32 $1.666666630e+00, v41;
	v29 =	vld [tilespmem:s30+$0x20];
	[tilespmem:s26+$0xFFFFFFD0] =	vst v17  }
0x8b: {  	v13 =	vmovc v23;
	v12 =	vmovc v18;
	v33 =	vadd.f32 v43, v40;
	v22 =	vld [tilespmem:s30+$0xFFFFFFC0];
	v17 =	vmul.f32 $1.666666630e+00, v36;
	v28 =	vadd.f32 $5.000000000e+00, v28;
	[tilespmem:s26+$0xFFFFFFE0] =	vst v15  }
0x8c: {  	v18 =	vadd.f32 $5.000000000e+00, v24;
	v23 =	vmul.f32 $1.666666630e+00, v31;
	v15 =	vld.idx.msk [tilespmem:v25+s17+$0x0], $0xffff;
	[tilespmem:s26+$0xFFFFFFF0] =	vst v20  }
0x8d: {  	v24 =	vadd.f32 $5.000000000e+00, v17;
	v21 =	vmul.f32 $1.666666630e+00, v21;
	v20 =	vmax.f32 v28, $1.666666650e-04;
	v17 =	vld.idx.msk [tilespmem:v26+s17+$0x0], $0xffff;
	[tilespmem:s26+$0x0] =	vst v30  }
0x8e: {  	v23 =	vadd.f32 $5.000000000e+00, v23;
	v27 =	vmul.f32 $1.666666630e+00, v27;
	v30 =	vmin.f32 v20, $9.999833100e+00;
	v20 =	vld.idx.msk [tilespmem:v19+s17+$0x0], $0xffff;
	[tilespmem:s26+$0x10] =	vst v32  }
0x8f: {  	v31 =	vadd.f32 $5.000000000e+00, v21;
	v29 =	vmul.f32 $1.666666630e+00, v29;
	v28 =	vtrunc.f32 v30;
	v21 =	vld.idx.msk [tilespmem:v16+s17+$0x0], $0xffff;
	[tilespmem:s26+$0x20] =	vst v33;
	s26 =	smov.u32 s28  }
0x90: {  	v22 =	vmul.f32 $1.666666630e+00, v22;
	v32 =	vadd.f32 $5.000000000e+00, v27;
	v38 =	vcvt.f32.s32 v28;
	v28 =	vld.idx.msk [tilespmem:v14+s17+$0x0], $0xffff  }
0x91: {  	v18 =	vmax.f32 v18, $1.666666650e-04;
	v24 =	vmax.f32 v24, $1.666666650e-04;
	v33 =	vadd.f32 $5.000000000e+00, v29;
	v27 =	vld.idx.msk [tilespmem:v46+s17+$0x0], $0xffff  }
0x92: {  	v23 =	vmax.f32 v23, $1.666666650e-04;
	v37 =	vmax.f32 v31, $1.666666650e-04;
	v22 =	vadd.f32 $5.000000000e+00, v22;
	v29 =	vld.idx.msk [tilespmem:v47+s17+$0x0], $0xffff  }
0x93: {  	v31 =	vmin.f32 v18, $9.999833100e+00;
	v18 =	vmax.f32 v32, $1.666666650e-04;
	v39 =	vmax.f32 v33, $1.666666650e-04;
	v35 =	vld.idx.msk [tilespmem:v25+s16+$0x0], $0xffff  }
0x94: {  	v32 =	vmin.f32 v24, $9.999833100e+00;
	v24 =	vmin.f32 v23, $9.999833100e+00;
	v22 =	vmax.f32 v22, $1.666666650e-04;
	v34 =	vld.idx.msk [tilespmem:v26+s16+$0x0], $0xffff  }
0x95: {  	v18 =	vmin.f32 v18, $9.999833100e+00;
	v36 =	vmin.f32 v22, $9.999833100e+00;
	v22 =	vmin.f32 v37, $9.999833100e+00;
	v33 =	vld.idx.msk [tilespmem:v19+s16+$0x0], $0xffff  }
0x96: {  	v26 =	vtrunc.f32 v31;
	v23 =	vmin.f32 v39, $9.999833100e+00;
	v19 =	vtrunc.f32 v36;
	v41 =	vld.idx.msk [tilespmem:v38+s17+$0x0], $0xffff  }
.Ltmp2:
0x97: {  	v40 =	vtrunc.f32 v24;
	v39 =	vtrunc.f32 v32;
	v37 =	vld.idx.msk [tilespmem:v16+s16+$0x0], $0xffff;
	(pc) =	sbr.rel @p1 .LBB2_3-.Ltmp2, $4  }
0x98: {  	v43 =	vtrunc.f32 v18;
	v45 =	vtrunc.f32 v22;
	v42 =	vld.idx.msk [tilespmem:v38+s16+$0x0], $0xffff  }
0x99: {  	v44 =	vtrunc.f32 v23;
	v25 =	vcvt.f32.s32 v19;
	v38 =	vld.idx.msk [tilespmem:v14+s16+$0x0], $0xffff  }
0x9a: {  	v26 =	vcvt.f32.s32 v26;
	v19 =	vcvt.f32.s32 v39;
	v39 =	vld.idx.msk [tilespmem:v46+s16+$0x0], $0xffff  }
0x9b: {  	s30 =	sadd.s32 $0x80, s30;
	v16 =	vcvt.f32.s32 v40;
	v14 =	vcvt.f32.s32 v45;
	v40 =	vld.idx.msk [tilespmem:v47+s16+$0x0], $0xffff  }
0x9c: {  	_ =	sdelay $0x3  }
0x9d: {  	v45 =	vld.idx.msk [tilespmem:v25+s17+$0x0], $0xffff  }
0x9e: {  	v46 =	vld.idx.msk [tilespmem:v26+s17+$0x0], $0xffff  }
0x9f: {  	v30 =	vmul.f32 v30, v41;
	v49 =	vld.idx.msk [tilespmem:v19+s17+$0x0], $0xffff  }
0xa0: {  	v43 =	vcvt.f32.s32 v43;
	v8 =	vmul.f32 v8, v15;
	v54 =	vld.idx.msk [tilespmem:v25+s16+$0x0], $0xffff  }
0xa1: {  	v7 =	vmul.f32 v7, v17;
	v50 =	vld.idx.msk [tilespmem:v16+s17+$0x0], $0xffff;
	v30 =	vadd.f32 v30, v42  }
0xa2: {  	v44 =	vcvt.f32.s32 v44;
	s28 =	sadd.s32 $0x80, s28;
	v10 =	vmul.f32 v10, v21;
	v51 =	vld.idx.msk [tilespmem:v14+s17+$0x0], $0xffff;
	v8 =	vadd.f32 v8, v35  }
0xa3: {  	v9 =	vmul.f32 v9, v20;
	v55 =	vld.idx.msk [tilespmem:v16+s16+$0x0], $0xffff;
	v7 =	vadd.f32 v7, v34;
	[tilespmem:s28+$0x30] =	vst v30  }
0xa4: {  	v11 =	vmul.f32 v11, v28;
	v57 =	vld.idx.msk [tilespmem:v14+s16+$0x0], $0xffff;
	v10 =	vadd.f32 v10, v37;
	[tilespmem:s26+$0xFFFFFFC0] =	vst v8  }
0xa5: {  	v12 =	vmul.f32 v12, v27;
	v8 =	vadd.f32 v9, v33;
	[tilespmem:s26+$0xFFFFFFD0] =	vst v7;
	v7 =	vld.idx.msk [tilespmem:v26+s16+$0x0], $0xffff  }
0xa6: {  	v13 =	vmul.f32 v13, v29;
	v11 =	vadd.f32 v11, v38;
	[tilespmem:s26+$0xFFFFFFF0] =	vst v10;
	v52 =	vld.idx.msk [tilespmem:v43+s17+$0x0], $0xffff  }
0xa7: {  	v12 =	vadd.f32 v12, v39;
	v56 =	vmul.f32 v36, v45;
	[tilespmem:s26+$0xFFFFFFE0] =	vst v8;
	v8 =	vld.idx.msk [tilespmem:v19+s16+$0x0], $0xffff  }
0xa8: {  	v13 =	vadd.f32 v13, v40;
	[tilespmem:s26+$0x0] =	vst v11;
	v53 =	vld.idx.msk [tilespmem:v44+s17+$0x0], $0xffff;
	v15 =	vmul.f32 v24, v50  }
0xa9: {  	v58 =	vmul.f32 v31, v46;
	[tilespmem:s26+$0x10] =	vst v12;
	v59 =	vld.idx.msk [tilespmem:v43+s16+$0x0], $0xffff;
	v9 =	vadd.f32 v56, v54  }
0xaa: {  	v60 =	vmul.f32 v32, v49;
	[tilespmem:s26+$0x20] =	vst v13;
	v61 =	vld.idx.msk [tilespmem:v44+s16+$0x0], $0xffff;
	v10 =	vadd.f32 v15, v55  }
0xab: {  	v62 =	vmul.f32 v22, v51;
	v7 =	vadd.f32 v58, v7;
	[tilespmem:s28+$0xFFFFFFC0] =	vst v9  }
0xac: {  	[tilespmem:s28+$0xFFFFFFF0] =	vst v10;
	v8 =	vadd.f32 v60, v8;
	v63 =	vmul.f32 v18, v52  }
0xad: {  	p1 =	sne.s32 s24, $0xF;
	v11 =	vadd.f32 v62, v57;
	[tilespmem:s28+$0xFFFFFFD0] =	vst v7;
	v7 =	vmul.f32 v23, v53  }
.Ltmp3:
0xae: {  	[tilespmem:s28+$0xFFFFFFE0] =	vst v8;
	v8 =	vadd.f32 v63, v59;
	(pc) =	sbr.rel @p1 .LBB2_6-.Ltmp3, $4  }
0xaf: {  	s30 =	sor.u32 s5, s25;
	[tilespmem:s28+$0x0] =	vst v11;
	v7 =	vadd.f32 v7, v61  }
0xb0: {  	s26 =	sshrl.u32 s30, $0x3;
	[tilespmem:s28+$0x10] =	vst v8  }
0xb1: {  	s31 =	sadd.s32 s4, s26;
	[tilespmem:s28+$0x20] =	vst v7  }
0xb2: {  	[hbm4b:s31+s6] =	stream.linear.scatter [tilespmem:s18], [sflag:$0x3], $0x4000, $0x38;
	[tilespmem:$0x10180] =	vst v63  }
.Ltmp4:
0xb3: {  	(pc) =	sbr.rel .LBB2_7-.Ltmp4, $4  }
0xb4: {  	_ = 	snop  }
0xb5: {  	_ =	swait.ge [sflag:s19], $0x4000  }
0xb6: {  	[sflag:s19] =	ssyncset.done $0x0  }
0xb7: {  	[sflag:s19] =	ssyncadd.s32 $0xFFFFC000  }
.LBB2_6:
0xb8: {  	s28 =	sadd.s32 s25, s9  }
0xb9: {  	s28 =	sshrl.u32 s28, $0x3  }
.Ltmp5:
0xba: {  	s28 =	sadd.s32 s0, s28;
	(pc) =	sbr.rel @p0 .LBB2_8-.Ltmp5, $4  }
0xbb: {  	[tilespmem:s12], [sflag:$0x1] =	stream.linear.gather [hbm4b:s28+s6], $0x4000, $0x38;
	[tilespmem:$0x10180] =	vst v63  }
0xbc: {  	_ =	swait.ge [sflag:s19], $0x4000  }
0xbd: {  	[sflag:s19] =	ssyncset.done $0x0  }
0xbe: {  	[sflag:s19] =	ssyncadd.s32 $0xFFFFC000  }
.LBB2_7:
0xbf: {  	_ =	swait.ge [sflag:s20], $0x4000  }
0xc0: {  	[sflag:s20] =	ssyncset.done $0x0  }
0xc1: {  	[sflag:s20] =	ssyncadd.s32 $0xFFFFC000  }
.LBB2_8:
0xc2: {  	s28 =	simm.s32 $0x41C0  }
0xc3: {  	v7 =	vld [tilespmem:s28+$0x30]  }
0xc4: {  	v8 =	vld [tilespmem:s28+$0xFFFFFFD0]  }
0xc5: {  	v9 =	vld [tilespmem:s28+$0xFFFFFFE0]  }
0xc6: {  	v10 =	vld [tilespmem:s28+$0xFFFFFFF0]  }
0xc7: {  	v11 =	vld [tilespmem:s28+$0x0]  }
0xc8: {  	v12 =	vld [tilespmem:s28+$0x10]  }
0xc9: {  	v13 =	vld [tilespmem:s28+$0xFFFFFFC0]  }
0xca: {  	v14 =	vld [tilespmem:s28+$0x20];
	s28 =	simm.s32 $0x4240  }
0xcb: {  	v24 =	vld [tilespmem:s28+$0xFFFFFFE0]  }
0xcc: {  	v28 =	vld [tilespmem:s28+$0x0]  }
0xcd: {  	v7 =	vmul.f32 $1.666666630e+00, v7;
	v10 =	vmul.f32 $1.666666630e+00, v10;
	_ =	sdelay $0x1  }
0xce: {  	v7 =	vadd.f32 $5.000000000e+00, v7;
	v10 =	vadd.f32 $5.000000000e+00, v10  }
0xcf: {  	v8 =	vmul.f32 $1.666666630e+00, v8;
	v24 =	vmul.f32 $1.666666630e+00, v24  }
0xd0: {  	v29 =	vmul.f32 $1.666666630e+00, v28;
	v7 =	vmax.f32 v7, $1.666666650e-04;
	v10 =	vmax.f32 v10, $1.666666650e-04  }
0xd1: {  	v15 =	vmin.f32 v7, $9.999833100e+00;
	v7 =	vmul.f32 $1.666666630e+00, v9;
	v10 =	vmin.f32 v10, $9.999833100e+00  }
0xd2: {  	v8 =	vadd.f32 $5.000000000e+00, v8;
	v9 =	vtrunc.f32 v15;
	v22 =	vtrunc.f32 v10  }
0xd3: {  	v24 =	vadd.f32 $5.000000000e+00, v24;
	v16 =	vcvt.f32.s32 v9;
	v9 =	vmul.f32 $1.666666630e+00, v11  }
0xd4: {  	v11 =	vmul.f32 $1.666666630e+00, v12;
	v7 =	vadd.f32 $5.000000000e+00, v7;
	v12 =	vmul.f32 $1.666666630e+00, v13  }
0xd5: {  	v8 =	vmax.f32 v8, $1.666666650e-04;
	v13 =	vmul.f32 $1.666666630e+00, v14;
	v37 =	vcvt.f32.s32 v22  }
0xd6: {  	v9 =	vadd.f32 $5.000000000e+00, v9;
	v11 =	vadd.f32 $5.000000000e+00, v11;
	v14 =	vmax.f32 v7, $1.666666650e-04  }
0xd7: {  	v21 =	vld [tilespmem:s28+$0x30];
	v12 =	vadd.f32 $5.000000000e+00, v12;
	v13 =	vadd.f32 $5.000000000e+00, v13;
	v7 =	vmin.f32 v8, $9.999833100e+00  }
0xd8: {  	v23 =	vld [tilespmem:s28+$0xFFFFFFD0];
	v20 =	vtrunc.f32 v7;
	v17 =	vmax.f32 v9, $1.666666650e-04;
	v18 =	vmax.f32 v11, $1.666666650e-04  }
0xd9: {  	v22 =	vld [tilespmem:s28+$0x10];
	v8 =	vmax.f32 v12, $1.666666650e-04;
	v9 =	vmin.f32 v14, $9.999833100e+00;
	v26 =	vcvt.f32.s32 v20  }
0xda: {  	v8 =	vmin.f32 v8, $9.999833100e+00;
	v11 =	vmin.f32 v17, $9.999833100e+00;
	v17 =	vtrunc.f32 v9;
	v19 =	vld.idx.msk [tilespmem:v16+s17+$0x0], $0xffff  }
0xdb: {  	v12 =	vmin.f32 v18, $9.999833100e+00;
	v14 =	vld.idx.msk [tilespmem:v16+s16+$0x0], $0xffff;
	v16 =	vtrunc.f32 v8;
	v18 =	vtrunc.f32 v11  }
0xdc: {  	v32 =	vadd.f32 $5.000000000e+00, v29;
	v20 =	vld [tilespmem:s28+$0xFFFFFFF0];
	v25 =	vtrunc.f32 v12;
	v33 =	vcvt.f32.s32 v17  }
0xdd: {  	v13 =	vmax.f32 v13, $1.666666650e-04;
	v17 =	vmul.f32 $1.666666630e+00, v21;
	v21 =	vmul.f32 $1.666666630e+00, v23;
	v23 =	vld [tilespmem:s28+$0xFFFFFFC0]  }
0xde: {  	v13 =	vmin.f32 v13, $9.999833100e+00;
	v16 =	vcvt.f32.s32 v16;
	v38 =	vcvt.f32.s32 v18;
	v18 =	vld [tilespmem:s28+$0x20]  }
0xdf: {  	v39 =	vcvt.f32.s32 v25;
	v17 =	vadd.f32 $5.000000000e+00, v17;
	v25 =	vadd.f32 $5.000000000e+00, v21;
	v21 =	vld.idx.msk [tilespmem:v37+s17+$0x0], $0xffff  }
0xe0: {  	v24 =	vmax.f32 v24, $1.666666650e-04;
	v22 =	vmul.f32 $1.666666630e+00, v22;
	v27 =	vtrunc.f32 v13;
	v37 =	vld.idx.msk [tilespmem:v37+s16+$0x0], $0xffff  }
0xe1: {  	v40 =	vcvt.f32.s32 v27;
	v27 =	vmul.f32 $1.666666630e+00, v20;
	v20 =	vmax.f32 v17, $1.666666650e-04;
	v17 =	vld.idx.msk [tilespmem:v26+s17+$0x0], $0xffff  }
0xe2: {  	v41 =	vmax.f32 v32, $1.666666650e-04;
	v32 =	vmin.f32 v24, $9.999833100e+00;
	v34 =	vld.idx.msk [tilespmem:v26+s16+$0x0], $0xffff;
	v30 =	vmin.f32 v20, $9.999833100e+00  }
0xe3: {  	v22 =	vadd.f32 $5.000000000e+00, v22;
	v23 =	vmul.f32 $1.666666630e+00, v23;
	v20 =	vld.idx.msk [tilespmem:v33+s17+$0x0], $0xffff;
	v28 =	vtrunc.f32 v30  }
0xe4: {  	v25 =	vmax.f32 v25, $1.666666650e-04;
	v31 =	vadd.f32 $5.000000000e+00, v27;
	v33 =	vld.idx.msk [tilespmem:v33+s16+$0x0], $0xffff;
	v42 =	vcvt.f32.s32 v28  }
0xe5: {  	v19 =	vmul.f32 v15, v19;
	v18 =	vmul.f32 $1.666666630e+00, v18;
	v15 =	vld.idx.msk [tilespmem:v16+s17+$0x0], $0xffff;
	v23 =	vadd.f32 $5.000000000e+00, v23  }
0xe6: {  	v36 =	vmax.f32 v31, $1.666666650e-04;
	v31 =	vmin.f32 v25, $9.999833100e+00;
	v35 =	vld.idx.msk [tilespmem:v16+s16+$0x0], $0xffff;
	v16 =	vmax.f32 v22, $1.666666650e-04  }
0xe7: {  	v28 =	vld.idx.msk [tilespmem:v38+s17+$0x0], $0xffff;
	v22 =	vmin.f32 v41, $9.999833100e+00;
	v14 =	vadd.f32 v19, v14;
	v18 =	vadd.f32 $5.000000000e+00, v18  }
0xe8: {  	v27 =	vld.idx.msk [tilespmem:v39+s17+$0x0], $0xffff;
	v24 =	vmin.f32 v36, $9.999833100e+00;
	v45 =	vtrunc.f32 v31;
	v47 =	vtrunc.f32 v22  }
0xe9: {  	s29 =	simm.s32 $0xC1C0;
	v29 =	vld.idx.msk [tilespmem:v40+s17+$0x0], $0xffff;
	v46 =	vtrunc.f32 v24;
	v25 =	vmax.f32 v18, $1.666666650e-04;
	v18 =	vmax.f32 v23, $1.666666650e-04  }
0xea: {  	[tilespmem:s29+$0x30] =	vst v14;
	v14 =	vcvt.f32.s32 v47;
	v36 =	vmin.f32 v18, $9.999833100e+00;
	v18 =	vmin.f32 v16, $9.999833100e+00;
	v41 =	vld.idx.msk [tilespmem:v42+s17+$0x0], $0xffff  }
0xeb: {  	v38 =	vld.idx.msk [tilespmem:v38+s16+$0x0], $0xffff;
	v16 =	vtrunc.f32 v32;
	v23 =	vmin.f32 v25, $9.999833100e+00;
	v25 =	vcvt.f32.s32 v45  }
0xec: {  	v26 =	vtrunc.f32 v36;
	v43 =	vtrunc.f32 v18;
	v42 =	vld.idx.msk [tilespmem:v42+s16+$0x0], $0xffff  }
0xed: {  	v39 =	vld.idx.msk [tilespmem:v39+s16+$0x0], $0xffff;
	v44 =	vtrunc.f32 v23;
	v19 =	vcvt.f32.s32 v16  }
0xee: {  	s30 =	simm.s32 $0x8;
	s31 =	simm.s32 $0x42C0;
	s28 =	simm.s32 $0xC1C0;
	v40 =	vld.idx.msk [tilespmem:v40+s16+$0x0], $0xffff;
	v16 =	vcvt.f32.s32 v46;
	v26 =	vcvt.f32.s32 v26  }
.LBB2_9:
0xef: {  	v45 =	vld [tilespmem:s31+$0x30];
	s30 =	sadd.s32 $0x8, s30;
	v46 =	vcvt.f32.s32 v43;
	v30 =	vmul.f32 v30, v41  }
0xf0: {  	v47 =	vcvt.f32.s32 v44;
	v15 =	vmul.f32 v8, v15;
	v8 =	vmov v36;
	v41 =	vld [tilespmem:s31+$0xFFFFFFD0];
	p0 =	slt.u32 s30, $0x3F8  }
0xf1: {  	v17 =	vmul.f32 v7, v17;
	v20 =	vmul.f32 v9, v20;
	v7 =	vmovc v31;
	v36 =	vld [tilespmem:s31+$0xFFFFFFE0];
	v30 =	vadd.f32 v30, v42  }
0xf2: {  	s29 =	sadd.s32 $0x80, s29;
	v9 =	vmovc v32;
	v15 =	vadd.f32 v15, v35;
	v35 =	vmul.f32 v10, v21;
	v42 =	vmul.f32 v11, v28;
	v31 =	vld [tilespmem:s31+$0xFFFFFFF0]  }
0xf3: {  	v43 =	vmul.f32 v13, v29;
	v17 =	vadd.f32 v17, v34;
	v34 =	vmul.f32 v12, v27;
	v21 =	vld [tilespmem:s31+$0x0];
	[tilespmem:s29+$0x30] =	vst v30  }
0xf4: {  	v10 =	vmovc v24;
	v27 =	vld [tilespmem:s31+$0x10];
	v28 =	vmul.f32 $1.666666630e+00, v45;
	[tilespmem:s28+$0xFFFFFFC0] =	vst v15;
	v15 =	vadd.f32 v20, v33;
	v20 =	vadd.f32 v35, v37  }
0xf5: {  	v11 =	vmovc v22;
	v30 =	vadd.f32 v42, v38;
	v32 =	vadd.f32 v34, v39;
	v24 =	vmul.f32 $1.666666630e+00, v41;
	v29 =	vld [tilespmem:s31+$0x20];
	[tilespmem:s28+$0xFFFFFFD0] =	vst v17  }
0xf6: {  	v13 =	vmovc v23;
	v12 =	vmovc v18;
	v33 =	vadd.f32 v43, v40;
	v22 =	vld [tilespmem:s31+$0xFFFFFFC0];
	v17 =	vmul.f32 $1.666666630e+00, v36;
	v28 =	vadd.f32 $5.000000000e+00, v28;
	[tilespmem:s28+$0xFFFFFFE0] =	vst v15  }
0xf7: {  	v18 =	vadd.f32 $5.000000000e+00, v24;
	v23 =	vmul.f32 $1.666666630e+00, v31;
	v15 =	vld.idx.msk [tilespmem:v26+s17+$0x0], $0xffff;
	[tilespmem:s28+$0xFFFFFFF0] =	vst v20  }
0xf8: {  	v24 =	vadd.f32 $5.000000000e+00, v17;
	v21 =	vmul.f32 $1.666666630e+00, v21;
	v20 =	vmax.f32 v28, $1.666666650e-04;
	v17 =	vld.idx.msk [tilespmem:v25+s17+$0x0], $0xffff;
	[tilespmem:s28+$0x0] =	vst v30  }
0xf9: {  	v23 =	vadd.f32 $5.000000000e+00, v23;
	v27 =	vmul.f32 $1.666666630e+00, v27;
	v30 =	vmin.f32 v20, $9.999833100e+00;
	v20 =	vld.idx.msk [tilespmem:v19+s17+$0x0], $0xffff;
	[tilespmem:s28+$0x10] =	vst v32  }
0xfa: {  	v31 =	vadd.f32 $5.000000000e+00, v21;
	v29 =	vmul.f32 $1.666666630e+00, v29;
	v28 =	vtrunc.f32 v30;
	v21 =	vld.idx.msk [tilespmem:v16+s17+$0x0], $0xffff;
	[tilespmem:s28+$0x20] =	vst v33;
	s28 =	smov.u32 s29  }
0xfb: {  	v22 =	vmul.f32 $1.666666630e+00, v22;
	v32 =	vadd.f32 $5.000000000e+00, v27;
	v38 =	vcvt.f32.s32 v28;
	v28 =	vld.idx.msk [tilespmem:v14+s17+$0x0], $0xffff  }
0xfc: {  	v18 =	vmax.f32 v18, $1.666666650e-04;
	v24 =	vmax.f32 v24, $1.666666650e-04;
	v33 =	vadd.f32 $5.000000000e+00, v29;
	v27 =	vld.idx.msk [tilespmem:v46+s17+$0x0], $0xffff  }
0xfd: {  	v23 =	vmax.f32 v23, $1.666666650e-04;
	v37 =	vmax.f32 v31, $1.666666650e-04;
	v22 =	vadd.f32 $5.000000000e+00, v22;
	v29 =	vld.idx.msk [tilespmem:v47+s17+$0x0], $0xffff  }
0xfe: {  	v31 =	vmin.f32 v18, $9.999833100e+00;
	v18 =	vmax.f32 v32, $1.666666650e-04;
	v39 =	vmax.f32 v33, $1.666666650e-04;
	v35 =	vld.idx.msk [tilespmem:v26+s16+$0x0], $0xffff  }
0xff: {  	v32 =	vmin.f32 v24, $9.999833100e+00;
	v24 =	vmin.f32 v23, $9.999833100e+00;
	v22 =	vmax.f32 v22, $1.666666650e-04;
	v34 =	vld.idx.msk [tilespmem:v25+s16+$0x0], $0xffff  }
0x100: {  	v18 =	vmin.f32 v18, $9.999833100e+00;
	v36 =	vmin.f32 v22, $9.999833100e+00;
	v22 =	vmin.f32 v37, $9.999833100e+00;
	v33 =	vld.idx.msk [tilespmem:v19+s16+$0x0], $0xffff  }
0x101: {  	v25 =	vtrunc.f32 v31;
	v23 =	vmin.f32 v39, $9.999833100e+00;
	v19 =	vtrunc.f32 v36;
	v41 =	vld.idx.msk [tilespmem:v38+s17+$0x0], $0xffff  }
.Ltmp6:
0x102: {  	v40 =	vtrunc.f32 v24;
	v39 =	vtrunc.f32 v32;
	v37 =	vld.idx.msk [tilespmem:v16+s16+$0x0], $0xffff;
	(pc) =	sbr.rel @p0 .LBB2_9-.Ltmp6, $4  }
0x103: {  	v43 =	vtrunc.f32 v18;
	v45 =	vtrunc.f32 v22;
	v42 =	vld.idx.msk [tilespmem:v38+s16+$0x0], $0xffff  }
0x104: {  	v44 =	vtrunc.f32 v23;
	v26 =	vcvt.f32.s32 v19;
	v38 =	vld.idx.msk [tilespmem:v14+s16+$0x0], $0xffff  }
0x105: {  	v25 =	vcvt.f32.s32 v25;
	v19 =	vcvt.f32.s32 v39;
	v39 =	vld.idx.msk [tilespmem:v46+s16+$0x0], $0xffff  }
0x106: {  	s31 =	sadd.s32 $0x80, s31;
	v16 =	vcvt.f32.s32 v40;
	v14 =	vcvt.f32.s32 v45;
	v40 =	vld.idx.msk [tilespmem:v47+s16+$0x0], $0xffff  }
0x107: {  	_ =	sdelay $0x3  }
0x108: {  	v45 =	vld.idx.msk [tilespmem:v26+s17+$0x0], $0xffff  }
0x109: {  	v46 =	vld.idx.msk [tilespmem:v25+s17+$0x0], $0xffff  }
0x10a: {  	v30 =	vmul.f32 v30, v41;
	v49 =	vld.idx.msk [tilespmem:v19+s17+$0x0], $0xffff  }
0x10b: {  	v43 =	vcvt.f32.s32 v43;
	v8 =	vmul.f32 v8, v15;
	v54 =	vld.idx.msk [tilespmem:v26+s16+$0x0], $0xffff  }
0x10c: {  	v7 =	vmul.f32 v7, v17;
	v50 =	vld.idx.msk [tilespmem:v16+s17+$0x0], $0xffff;
	v30 =	vadd.f32 v30, v42  }
0x10d: {  	v44 =	vcvt.f32.s32 v44;
	s29 =	sadd.s32 $0x80, s29;
	v10 =	vmul.f32 v10, v21;
	v51 =	vld.idx.msk [tilespmem:v14+s17+$0x0], $0xffff;
	v8 =	vadd.f32 v8, v35  }
0x10e: {  	v9 =	vmul.f32 v9, v20;
	v55 =	vld.idx.msk [tilespmem:v16+s16+$0x0], $0xffff;
	v7 =	vadd.f32 v7, v34;
	[tilespmem:s29+$0x30] =	vst v30  }
0x10f: {  	v11 =	vmul.f32 v11, v28;
	v57 =	vld.idx.msk [tilespmem:v14+s16+$0x0], $0xffff;
	v10 =	vadd.f32 v10, v37;
	[tilespmem:s28+$0xFFFFFFC0] =	vst v8  }
0x110: {  	v12 =	vmul.f32 v12, v27;
	v8 =	vadd.f32 v9, v33;
	[tilespmem:s28+$0xFFFFFFD0] =	vst v7;
	v7 =	vld.idx.msk [tilespmem:v25+s16+$0x0], $0xffff  }
0x111: {  	v13 =	vmul.f32 v13, v29;
	v11 =	vadd.f32 v11, v38;
	[tilespmem:s28+$0xFFFFFFF0] =	vst v10;
	v52 =	vld.idx.msk [tilespmem:v43+s17+$0x0], $0xffff  }
0x112: {  	v12 =	vadd.f32 v12, v39;
	v56 =	vmul.f32 v36, v45;
	[tilespmem:s28+$0xFFFFFFE0] =	vst v8;
	v8 =	vld.idx.msk [tilespmem:v19+s16+$0x0], $0xffff  }
0x113: {  	v13 =	vadd.f32 v13, v40;
	[tilespmem:s28+$0x0] =	vst v11;
	v53 =	vld.idx.msk [tilespmem:v44+s17+$0x0], $0xffff;
	v15 =	vmul.f32 v24, v50  }
0x114: {  	v58 =	vmul.f32 v31, v46;
	[tilespmem:s28+$0x10] =	vst v12;
	v59 =	vld.idx.msk [tilespmem:v43+s16+$0x0], $0xffff;
	v9 =	vadd.f32 v56, v54  }
0x115: {  	v60 =	vmul.f32 v32, v49;
	[tilespmem:s28+$0x20] =	vst v13;
	v61 =	vld.idx.msk [tilespmem:v44+s16+$0x0], $0xffff;
	v10 =	vadd.f32 v15, v55  }
0x116: {  	v62 =	vmul.f32 v22, v51;
	v7 =	vadd.f32 v58, v7;
	[tilespmem:s29+$0xFFFFFFC0] =	vst v9  }
0x117: {  	[tilespmem:s29+$0xFFFFFFF0] =	vst v10;
	v8 =	vadd.f32 v60, v8;
	v63 =	vmul.f32 v18, v52  }
0x118: {  	p0 =	seq.s32 s24, $0xF;
	v11 =	vadd.f32 v62, v57;
	[tilespmem:s29+$0xFFFFFFD0] =	vst v7;
	v7 =	vmul.f32 v23, v53  }
.Ltmp7:
0x119: {  	[tilespmem:s29+$0xFFFFFFE0] =	vst v8;
	v8 =	vadd.f32 v63, v59;
	(pc) =	sbr.rel @p0 .LBB2_12-.Ltmp7, $4  }
0x11a: {  	[tilespmem:s29+$0x0] =	vst v11;
	v7 =	vadd.f32 v7, v61  }
0x11b: {  	s26 =	sadd.s32 s26, s4;
	[tilespmem:s29+$0x10] =	vst v8  }
0x11c: {  	s26 =	sadd.s32 $0x800, s26;
	[tilespmem:s29+$0x20] =	vst v7  }
0x11d: {  	[hbm4b:s26+s6] =	stream.linear.scatter [tilespmem:s21], [sflag:$0x4], $0x4000, $0x38;
	[tilespmem:$0x10180] =	vst v63  }
.Ltmp8:
0x11e: {  	(pc) =	sbr.rel .LBB2_2-.Ltmp8, $4  }
0x11f: {  	s25 =	sadd.s32 s25, s10  }
0x120: {  	s25 =	sshrl.u32 s25, $0x3  }
0x121: {  	s24 =	sadd.s32 $0x1, s24;
	s25 =	sadd.s32 s0, s25  }
0x122: {  	[tilespmem:s13], [sflag:$0x2] =	stream.linear.gather [hbm4b:s25+s6], $0x4000, $0x38;
	[tilespmem:$0x10180] =	vst v63  }
.LBB2_13:
0x123: {  	_ =	sfence.sel $0x180000  }
0x124: {  	[bflag:$0x0] =	sbarrier.arrive $0xFFFF  }
0x125: {  	p0 =	sne.s32 s1, $0x0;
	_ =	strace $0x90000047  }
0x126: {  	s0 =	sadd.s32 @!p0 $0x100000, s3;
	[bflag:$0x2] =	sbarrier.arrive $0xFFFF  }
0x127: {  	[sflag:s0] =	ssyncadd.tile.s32 @!p0 $0x1;
	_ =	shalt  }
.Lfunc_end2:
_tile_overlayer_lowered:
.L_overlay_start_2:
0x128: {  	(tag) =	ssettag $0x2  }
0x129: {  	s0 =	rddreg [dreg:$0x0];
	s2 =	stileid.u32  }
0x12a: {  	s1 =	rddreg [dreg:$0x1];
	p0 =	sne.s32 s2, $0x0  }
0x12b: {  	s3 =	rddreg [dreg:$0x2];
	[bflag:$0x3] =	sbarrier.arrive $0xFFFF;
	s2 =	simm.s32 @!p0 $0x1C05  }
0x12c: {  	[timem:s3], [sflag:s2] =	dma.local @!p0 [hbm:s0], s1  }
0x12d: {  	s0 =	simm.s32 @!p0 $0x5  }
0x12e: {  	_ =	swait.ge @!p0 [sflag:s0], s1  }
0x12f: {  	s1 =	ssub.s32 @!p0 $0x0, s1;
	[sflag:s0] =	ssyncset.done @!p0 $0x0  }
0x130: {  	[sflag:s0] =	ssyncadd.s32 @!p0 s1  }
0x131: {  	[bflag:$0x3] =	sbarrier.arrive $0xFFFF  }
0x132: {  	_ =	shalt  }

</sc_bundles>
